<compile_context>
chip_gen: v7x
topology: tpu7x:2x2x1
jax: 0.10.2.dev20260603
libtpu: 0.0.44.dev20260713+nightly
codegen_flags: <defaults>
</compile_context>

<pallas_src>
import functools

import jax
import jax.numpy as jnp
from jax import lax
from jax.experimental import pallas as pl
from jax.experimental.pallas import tpu as pltpu
from jax.experimental.pallas import tpu_sc as plsc

N = 10000
E = 320000
D_IN = 128
D_H = 64
NP = 10240
NPK = NP // 2
NC = 2
NS = 16
NW = NC * NS
EPW = E // NW
CR = 125
C = 128
NCH = EPW // CR

_MESH = plsc.VectorSubcoreMesh(
    core_axis_name="c", subcore_axis_name="s", num_cores=NC, num_subcores=NS)


@functools.partial(
    pl.kernel,
    out_type=jax.ShapeDtypeStruct((NW, NP), jnp.float32),
    mesh=_MESH,
    scratch_types=[
        pltpu.VMEM((EPW,), jnp.int32),
        pltpu.VMEM((NP,), jnp.float32),
    ],
    compiler_params=pltpu.CompilerParams(
        needs_layout_passes=False, use_tc_tiling_on_sc=False),
)
def _sc_degree(dst_hbm, out_hbm, dstv, acc):
    wid = lax.axis_index("c") * NS + lax.axis_index("s")
    pltpu.sync_copy(dst_hbm.at[wid], dstv)

    zeros16 = jnp.zeros((16,), jnp.float32)

    def zbody(i, c):
        acc[pl.ds(i * 16, 16)] = zeros16
        return c

    lax.fori_loop(0, NP // 16, zbody, 0)

    ones16 = jnp.ones((16,), jnp.float32)

    def body(i, c):
        idx = dstv[pl.ds(i * 16, 16)]
        plsc.addupdate_scatter(acc, [idx], ones16)
        return c

    lax.fori_loop(0, EPW // 16, body, 0)
    pltpu.sync_copy(acc, out_hbm.at[wid])


@functools.partial(
    pl.kernel,
    out_type=jax.ShapeDtypeStruct((NC, NP, D_H), jnp.float32),
    mesh=_MESH,
    scratch_types=[
        pltpu.VMEM((NCH, C), jnp.int32),
        pltpu.VMEM((NCH, C), jnp.int32),
        pltpu.VMEM((C, D_H), jnp.float32),
        pltpu.VMEM((C, D_H), jnp.float32),
        pltpu.VMEM((C, D_H), jnp.float32),
        pltpu.VMEM_SHARED((NP, D_H), jnp.float32),
        pltpu.SemaphoreType.DMA,
        pltpu.SemaphoreType.DMA,
    ],
    compiler_params=pltpu.CompilerParams(use_tc_tiling_on_sc=False),
)
def _sc_prop(q_hbm, src_hbm, dst_hbm, out_hbm, srcv, dstv, rows0, rows1,
             rows2, acc_s, gsem, ssem):
    c = lax.axis_index("c")
    s = lax.axis_index("s")
    wid = c * NS + s
    pltpu.sync_copy(src_hbm.at[wid], srcv)
    pltpu.sync_copy(dst_hbm.at[wid], dstv)

    zeros16 = jnp.zeros((16,), jnp.float32)

    def zbody(i, cr):
        rows0[i >> 2, pl.ds((i & 3) * 16, 16)] = zeros16
        return cr

    lax.fori_loop(0, C * D_H // 16, zbody, 0)
    rpw = NP // NS
    for k in range(rpw // C):
        pltpu.sync_copy(rows0, acc_s.at[pl.ds(s * rpw + k * C, C), :])

    bufs = (rows0, rows1, rows2)

    def wait_g(j, buf):
        pltpu.make_async_copy(q_hbm.at[srcv.at[j]], buf, gsem).wait()

    def start_g(j, buf):
        pltpu.async_copy(q_hbm.at[srcv.at[j]], buf, gsem)

    def start_s(j, buf):
        pltpu.async_copy(buf, acc_s.at[dstv.at[j]], ssem, add=True)

    def wait_s(j, buf):
        pltpu.make_async_copy(buf, acc_s.at[dstv.at[j]], ssem).wait()

    start_g(0, rows0)
    start_g(1, rows1)
    plsc.subcore_barrier()

    wait_g(0, rows0)
    start_s(0, rows0)
    start_g(2, rows2)
    wait_g(1, rows1)
    start_s(1, rows1)
    wait_s(0, rows0)
    start_g(3, rows0)

    def body(k, cr):
        j0 = 2 + 3 * k
        for i in range(3):
            j = j0 + i
            bj = bufs[(2 + i) % 3]
            bn = bufs[(2 + i + 2) % 3]
            wait_g(j, bj)
            start_s(j, bj)
            wait_s(j - 1, bufs[(2 + i + 2) % 3])
            @pl.when(j + 2 < NCH)
            def _():
                start_g(j + 2, bn)
        return cr

    lax.fori_loop(0, (NCH - 2) // 3, body, 0)
    wait_s(NCH - 1, bufs[(NCH - 1) % 3])
    plsc.subcore_barrier()
    pltpu.sync_copy(acc_s.at[pl.ds(s * rpw, rpw), :],
                    out_hbm.at[c, pl.ds(s * rpw, rpw), :])


@functools.partial(
    pl.kernel,
    out_type=jax.ShapeDtypeStruct((NW, NP), jnp.float32),
    mesh=_MESH,
    scratch_types=[
        pltpu.VMEM((NP,), jnp.float32),
        pltpu.VMEM((EPW,), jnp.int32),
        pltpu.VMEM((EPW,), jnp.int32),
        pltpu.VMEM((NP,), jnp.float32),
    ],
    compiler_params=pltpu.CompilerParams(
        needs_layout_passes=False, use_tc_tiling_on_sc=False),
)
def _sc_prop1(q_hbm, src_hbm, dst_hbm, out_hbm, qv, srcv, dstv, acc):
    wid = lax.axis_index("c") * NS + lax.axis_index("s")
    pltpu.sync_copy(q_hbm, qv)
    pltpu.sync_copy(src_hbm.at[wid], srcv)
    pltpu.sync_copy(dst_hbm.at[wid], dstv)

    zeros16 = jnp.zeros((16,), jnp.float32)

    def zbody(i, c):
        acc[pl.ds(i * 16, 16)] = zeros16
        return c

    lax.fori_loop(0, NP // 16, zbody, 0)

    def body(i, c):
        si = srcv[pl.ds(i * 16, 16)]
        di = dstv[pl.ds(i * 16, 16)]
        g = plsc.load_gather(qv, [si])
        plsc.addupdate_scatter(acc, [di], g)
        return c

    lax.fori_loop(0, EPW // 16, body, 0)
    pltpu.sync_copy(acc, out_hbm.at[wid])


_BRK = 1024
_G = NPK // _BRK


def _tc_edges_body(ei_ref, src_ref, dst_ref):
    src_ref[...] = ei_ref[0]
    dst_ref[...] = ei_ref[1]


def _tc_edges(edge_index):
    return pl.pallas_call(
        _tc_edges_body,
        out_shape=[jax.ShapeDtypeStruct((E,), jnp.int32),
                   jax.ShapeDtypeStruct((E,), jnp.int32)],
    )(edge_index)


def _tc_dinv_body(degp_ref, o_ref):
    deg = jnp.sum(degp_ref[...], axis=0) + 1.0
    o_ref[...] = lax.rsqrt(deg).reshape(1, NP)


def _tc_dinv(deg_parts):
    return pl.pallas_call(
        _tc_dinv_body,
        out_shape=jax.ShapeDtypeStruct((1, NP), jnp.float32),
    )(deg_parts)


def _tc_l1_body(x_ref, w_ref, dinv_ref, o_ref):
    p = jnp.dot(x_ref[...], w_ref[...], preferred_element_type=jnp.float32)
    o_ref[...] = p * dinv_ref[...]


def _tc_l1(x2, w1blk, dinv_pk):
    return pl.pallas_call(
        _tc_l1_body,
        grid=(_G,),
        in_specs=[
            pl.BlockSpec((_BRK, 2 * D_IN), lambda g: (g, 0)),
            pl.BlockSpec((2 * D_IN, 128), lambda g: (0, 0)),
            pl.BlockSpec((_BRK, 128), lambda g: (g, 0)),
        ],
        out_specs=pl.BlockSpec((_BRK, 128), lambda g: (g, 0)),
        out_shape=jax.ShapeDtypeStruct((NPK, 128), jnp.float32),
    )(x2, w1blk, dinv_pk)


def _tc_mid_body(sp_ref, q_ref, dinv_ref, b_ref, w_ref, o_ref):
    s = sp_ref[0] + sp_ref[1]
    dinv = dinv_ref[...]
    h = jax.nn.relu(dinv * (s + q_ref[...]) + b_ref[...])
    o_ref[...] = jnp.dot(h, w_ref[...],
                         preferred_element_type=jnp.float32) * dinv


def _tc_mid(s_parts_pk, q_pk, dinv_pk, b_pk, wblk):
    return pl.pallas_call(
        _tc_mid_body,
        grid=(_G,),
        in_specs=[
            pl.BlockSpec((NC, _BRK, 128), lambda g: (0, g, 0)),
            pl.BlockSpec((_BRK, 128), lambda g: (g, 0)),
            pl.BlockSpec((_BRK, 128), lambda g: (g, 0)),
            pl.BlockSpec((1, 128), lambda g: (0, 0)),
            pl.BlockSpec((128, 128), lambda g: (0, 0)),
        ],
        out_specs=pl.BlockSpec((_BRK, 128), lambda g: (g, 0)),
        out_shape=jax.ShapeDtypeStruct((NPK, 128), jnp.float32),
    )(s_parts_pk, q_pk, dinv_pk, b_pk, wblk)


def _tc_final_body(sp_ref, q_ref, dinv_ref, b_ref, o_ref):
    s = jnp.sum(sp_ref[...], axis=0)
    o_ref[...] = dinv_ref[...] * (s.reshape(1, NP) + q_ref[...]) + b_ref[0, 0]


def _tc_final(s_parts, q3f, dinv1d, b3):
    return pl.pallas_call(
        _tc_final_body,
        out_shape=jax.ShapeDtypeStruct((1, NP), jnp.float32),
    )(s_parts, q3f, dinv1d, b3.reshape(1, 1))


def kernel(x, edge_index, W1, b1, W2, b2, W3, b3):
    src, dst = _tc_edges(edge_index)
    npad = NW * NCH * (C - CR)
    lanes = jnp.arange(npad, dtype=jnp.int32).reshape(NW, NCH, C - CR)
    src3 = jnp.concatenate([src.reshape(NW, NCH, CR), lanes % N], axis=2)
    dst3 = jnp.concatenate(
        [dst.reshape(NW, NCH, CR), N + lanes % (NP - N)], axis=2)
    src2 = src.reshape(NW, EPW)
    dst2 = dst.reshape(NW, EPW)

    x_pad = jnp.pad(x, ((0, NP - N), (0, 0)))
    x2 = x_pad.reshape(NPK, 2 * D_IN)
    w1blk = (jnp.zeros((2 * D_IN, 128), jnp.float32)
             .at[:D_IN, :D_H].set(W1).at[D_IN:, D_H:].set(W1))
    w2blk = (jnp.zeros((128, 128), jnp.float32)
             .at[:D_H, :D_H].set(W2).at[D_H:, D_H:].set(W2))
    w3blk = (jnp.zeros((128, 128), jnp.float32)
             .at[:D_H, 0:1].set(W3).at[D_H:, D_H:D_H + 1].set(W3))
    b1pk = jnp.concatenate([b1, b1]).reshape(1, 128)
    b2pk = jnp.concatenate([b2, b2]).reshape(1, 128)

    deg_parts = _sc_degree(dst2)
    dinv1d = _tc_dinv(deg_parts)
    dinv_pk = jnp.broadcast_to(
        dinv1d.reshape(NP, 1), (NP, D_H)).reshape(NPK, 128)

    q1 = _tc_l1(x2, w1blk, dinv_pk)
    s1 = _sc_prop(q1.reshape(NP, D_H), src3, dst3)
    q2 = _tc_mid(s1.reshape(NC, NPK, 128), q1, dinv_pk, b1pk, w2blk)
    s2 = _sc_prop(q2.reshape(NP, D_H), src3, dst3)
    q3 = _tc_mid(s2.reshape(NC, NPK, 128), q2, dinv_pk, b2pk, w3blk)
    q3f = q3.reshape(NPK, 2, D_H)[:, :, 0].reshape(NP)
    s3 = _sc_prop1(q3f, src2, dst2)
    out = _tc_final(s3, q3f.reshape(1, NP), dinv1d, b3)
    return out[0, :N].reshape(N, 1)

# --- scband reference (transcript-rebuilt; emitter-appended) ---
"""Pipeline reference for scband-gnnmodel-30064771072295 (READ-ONLY COPY).

The authoritative reference and input builder live on the scoring server;
editing this copy changes nothing except your own understanding.
"""

import jax, jax.numpy as jnp
import numpy as np

N = 10000
E = 320000
D_IN = 128
D_H = 64
D_OUT = 1


def setup_inputs(seed: int = 0) -> dict:
    key = jax.random.key(seed)
    ks = jax.random.split(key, 8)
    x = jax.random.normal(ks[0], (N, D_IN), dtype=jnp.float32)
    edge_index = jax.random.randint(ks[1], (2, E), 0, N, dtype=jnp.int32)
    W1 = jax.random.normal(ks[2], (D_IN, D_H), dtype=jnp.float32) * 0.05
    b1 = jnp.zeros((D_H,), dtype=jnp.float32)
    W2 = jax.random.normal(ks[3], (D_H, D_H), dtype=jnp.float32) * 0.05
    b2 = jnp.zeros((D_H,), dtype=jnp.float32)
    W3 = jax.random.normal(ks[4], (D_H, D_OUT), dtype=jnp.float32) * 0.05
    b3 = jnp.zeros((D_OUT,), dtype=jnp.float32)
    return {"x": x, "edge_index": edge_index, "W1": W1, "b1": b1, "W2": W2, "b2": b2, "W3": W3, "b3": b3}


def _gcn_layer(x, src, dst, W, b):
    # GCNConv: x' = D^{-1/2} (A + I) D^{-1/2} x W + b
    h = x @ W
    loop = jnp.arange(N, dtype=src.dtype)
    s = jnp.concatenate([src, loop])
    d = jnp.concatenate([dst, loop])
    deg = jax.ops.segment_sum(jnp.ones(s.shape[0], dtype=h.dtype), d, num_segments=N)
    dinv = jnp.where(deg > 0, jax.lax.rsqrt(deg), 0.0)
    norm = dinv[s] * dinv[d]
    msgs = jnp.take(h, s, axis=0) * norm[:, None]
    out = jax.ops.segment_sum(msgs, d, num_segments=N)
    return out + b


def reference(x, edge_index, W1, b1, W2, b2, W3, b3):
    src = edge_index[0]
    dst = edge_index[1]
    h = jax.nn.relu(_gcn_layer(x, src, dst, W1, b1))
    # dropout is identity in eval mode
    h = jax.nn.relu(_gcn_layer(h, src, dst, W2, b2))
    out = _gcn_layer(h, src, dst, W3, b3)
    return out

if __name__ == "__main__":
    import jax
    _d = setup_inputs()
    print(jax.jit(kernel)(*tuple(_d.values())))

</pallas_src>

<mosaic_0001>
#map = affine_map<(d0, d1) -> (0, 0)>
module attributes {stable_mosaic.version = 14 : i64} {
  func.func @_sc_degree(%arg0: i32, %arg1: i32, %arg2: memref<32x10000xi32, #tpu.memory_space<hbm>>, %arg3: memref<32x10240xf32, #tpu.memory_space<hbm>>, %arg4: memref<10000xi32, #tpu.memory_space<vmem>>, %arg5: memref<10240xf32, #tpu.memory_space<vmem>>) attributes {dimension_semantics = [#tpu.dimension_semantics<core_parallel>, #tpu.dimension_semantics<subcore_parallel>], iteration_bounds = array<i64: 2, 16>, scalar_prefetch = 0 : i64, scratch_operands = 2 : i64, tpu.core_type = #tpu.core_type<sc_vector_subcore>, window_params = [{transform_indices = #map}, {transform_indices = #map}]} {
    %mul3A = arith.constant 16 : i32
    %mul3A_0 = arith.muli %arg0, %mul3A : i32
    %add3A = arith.addi %mul3A_0, %arg1 : i32
    "tpu.region"() ({
      %run_scoped3A = tpu.sem_alloc : memref<!tpu.dma_semaphore, #tpu.memory_space<semaphore_mem>>
      %dma_start3A = arith.constant 0 : i32
      %dma_start3A_15 = tpu.memref_slice %arg2[%add3A, %dma_start3A] : memref<32x10000xi32, #tpu.memory_space<hbm>> -> memref<1x10000xi32, #tpu.memory_space<hbm>>
      %dma_start3A_16 = tpu.memref_squeeze %dma_start3A_15 : memref<1x10000xi32, #tpu.memory_space<hbm>> -> memref<10000xi32, #tpu.memory_space<hbm>>
      %dma_start3A_17 = arith.constant 0 : i32
      %dma_start3A_18 = tpu.memref_slice %arg2[%add3A, %dma_start3A_17] : memref<32x10000xi32, #tpu.memory_space<hbm>> -> memref<1x10000xi32, #tpu.memory_space<hbm>>
      %dma_start3A_19 = tpu.memref_squeeze %dma_start3A_18 : memref<1x10000xi32, #tpu.memory_space<hbm>> -> memref<10000xi32, #tpu.memory_space<hbm>>
      tpu.enqueue_dma source(%dma_start3A_19 : memref<10000xi32, #tpu.memory_space<hbm>>) target(%arg4 : memref<10000xi32, #tpu.memory_space<vmem>>) target_semaphore(%run_scoped3A : memref<!tpu.dma_semaphore, #tpu.memory_space<semaphore_mem>>)
      %dma_wait3A = arith.constant 0 : i32
      %dma_wait3A_20 = tpu.memref_slice %arg2[%add3A, %dma_wait3A] : memref<32x10000xi32, #tpu.memory_space<hbm>> -> memref<1x10000xi32, #tpu.memory_space<hbm>>
      %dma_wait3A_21 = tpu.memref_squeeze %dma_wait3A_20 : memref<1x10000xi32, #tpu.memory_space<hbm>> -> memref<10000xi32, #tpu.memory_space<hbm>>
      %dma_wait3A_22 = arith.constant 0 : i32
      %dma_wait3A_23 = tpu.memref_slice %arg2[%add3A, %dma_wait3A_22] : memref<32x10000xi32, #tpu.memory_space<hbm>> -> memref<1x10000xi32, #tpu.memory_space<hbm>>
      %dma_wait3A_24 = tpu.memref_squeeze %dma_wait3A_23 : memref<1x10000xi32, #tpu.memory_space<hbm>> -> memref<10000xi32, #tpu.memory_space<hbm>>
      tpu.wait_dma2 semaphore(%run_scoped3A : memref<!tpu.dma_semaphore, #tpu.memory_space<semaphore_mem>>) src(%dma_wait3A_24 : memref<10000xi32, #tpu.memory_space<hbm>>) dst(%arg4 : memref<10000xi32, #tpu.memory_space<vmem>>)
      tpu.yield
    }) : () -> ()
    %broadcast_in_dim3A = arith.constant 0.000000e+00 : f32
    %broadcast_in_dim3A_1 = vector.broadcast %broadcast_in_dim3A : f32 to vector<16xf32>
    %scan3A = arith.constant 0 : i32
    %scan3A_2 = arith.constant 0 : i32
    %scan3A_3 = arith.constant 640 : i32
    %scan3A_4 = arith.addi %scan3A_2, %scan3A_3 : i32
    %scan3A_5 = arith.constant 1 : i32
    scf.for %scan3A_15 = %scan3A_2 to %scan3A_4 step %scan3A_5  : i32 {
      %mul3A_16 = arith.constant 16 : i32
      %mul3A_17 = arith.muli %scan3A_15, %mul3A_16 : i32
      %swap3A = arith.index_cast %mul3A_17 : i32 to index
      %swap3A_18 = tpu.vector_load %arg5[%swap3A] {strides = array<i32>} : memref<10240xf32, #tpu.memory_space<vmem>>, vector<16xf32>,
      tpu.vector_store %arg5[%swap3A], %broadcast_in_dim3A_1 {strides = array<i32>} : memref<10240xf32, #tpu.memory_space<vmem>>, vector<16xf32>,
    }
    %scan3A_6 = arith.constant 640 : i32
    %broadcast_in_dim3A_7 = arith.constant 1.000000e+00 : f32
    %broadcast_in_dim3A_8 = vector.broadcast %broadcast_in_dim3A_7 : f32 to vector<16xf32>
    %scan3A_9 = arith.constant 0 : i32
    %scan3A_10 = arith.constant 0 : i32
    %scan3A_11 = arith.constant 625 : i32
    %scan3A_12 = arith.addi %scan3A_10, %scan3A_11 : i32
    %scan3A_13 = arith.constant 1 : i32
    scf.for %scan3A_15 = %scan3A_10 to %scan3A_12 step %scan3A_13  : i32 {
      %mul3A_16 = arith.constant 16 : i32
      %mul3A_17 = arith.muli %scan3A_15, %mul3A_16 : i32
      %get3A = arith.index_cast %mul3A_17 : i32 to index
      %get3A_18 = tpu.vector_load %arg4[%get3A] {strides = array<i32>} : memref<10000xi32, #tpu.memory_space<vmem>>, vector<16xi32>,
      tpu.vector_store_idx %arg5[%get3A_18], %broadcast_in_dim3A_8 {add = true} : memref<10240xf32, #tpu.memory_space<vmem>>[vector<16xi32>], vector<16xf32>,
    }
    %scan3A_14 = arith.constant 625 : i32
    "tpu.region"() ({
      %run_scoped3A = tpu.sem_alloc : memref<!tpu.dma_semaphore, #tpu.memory_space<semaphore_mem>>
      %dma_start3A = arith.constant 0 : i32
      %dma_start3A_15 = tpu.memref_slice %arg3[%add3A, %dma_start3A] : memref<32x10240xf32, #tpu.memory_space<hbm>> -> memref<1x10240xf32, #tpu.memory_space<hbm>>
      %dma_start3A_16 = tpu.memref_squeeze %dma_start3A_15 : memref<1x10240xf32, #tpu.memory_space<hbm>> -> memref<10240xf32, #tpu.memory_space<hbm>>
      %dma_start3A_17 = arith.constant 0 : i32
      %dma_start3A_18 = tpu.memref_slice %arg3[%add3A, %dma_start3A_17] : memref<32x10240xf32, #tpu.memory_space<hbm>> -> memref<1x10240xf32, #tpu.memory_space<hbm>>
      %dma_start3A_19 = tpu.memref_squeeze %dma_start3A_18 : memref<1x10240xf32, #tpu.memory_space<hbm>> -> memref<10240xf32, #tpu.memory_space<hbm>>
      tpu.enqueue_dma source(%arg5 : memref<10240xf32, #tpu.memory_space<vmem>>) target(%dma_start3A_19 : memref<10240xf32, #tpu.memory_space<hbm>>) target_semaphore(%run_scoped3A : memref<!tpu.dma_semaphore, #tpu.memory_space<semaphore_mem>>)
      %dma_wait3A = arith.constant 0 : i32
      %dma_wait3A_20 = tpu.memref_slice %arg3[%add3A, %dma_wait3A] : memref<32x10240xf32, #tpu.memory_space<hbm>> -> memref<1x10240xf32, #tpu.memory_space<hbm>>
      %dma_wait3A_21 = tpu.memref_squeeze %dma_wait3A_20 : memref<1x10240xf32, #tpu.memory_space<hbm>> -> memref<10240xf32, #tpu.memory_space<hbm>>
      %dma_wait3A_22 = arith.constant 0 : i32
      %dma_wait3A_23 = tpu.memref_slice %arg3[%add3A, %dma_wait3A_22] : memref<32x10240xf32, #tpu.memory_space<hbm>> -> memref<1x10240xf32, #tpu.memory_space<hbm>>
      %dma_wait3A_24 = tpu.memref_squeeze %dma_wait3A_23 : memref<1x10240xf32, #tpu.memory_space<hbm>> -> memref<10240xf32, #tpu.memory_space<hbm>>
      tpu.wait_dma2 semaphore(%run_scoped3A : memref<!tpu.dma_semaphore, #tpu.memory_space<semaphore_mem>>) src(%arg5 : memref<10240xf32, #tpu.memory_space<vmem>>) dst(%dma_wait3A_24 : memref<10240xf32, #tpu.memory_space<hbm>>)
      tpu.yield
    }) : () -> ()
    return
  }
}

#map = affine_map<(d0, d1) -> (0, 0)>
#map1 = affine_map<(d0, d1) -> (0, 0, 0)>
module attributes {stable_mosaic.version = 14 : i64} {
  func.func @_sc_prop(%arg0: i32, %arg1: i32, %arg2: memref<10240x64xf32, #tpu.memory_space<hbm>>, %arg3: memref<32x80x128xi32, #tpu.memory_space<hbm>>, %arg4: memref<32x80x128xi32, #tpu.memory_space<hbm>>, %arg5: memref<2x10240x64xf32, #tpu.memory_space<hbm>>, %arg6: memref<80x128xi32, #tpu.memory_space<vmem>>, %arg7: memref<80x128xi32, #tpu.memory_space<vmem>>, %arg8: memref<128x64xf32, #tpu.memory_space<vmem>>, %arg9: memref<128x64xf32, #tpu.memory_space<vmem>>, %arg10: memref<128x64xf32, #tpu.memory_space<vmem>>, %arg11: memref<10240x64xf32, #tpu.memory_space<vmem_shared>>, %arg12: memref<!tpu.dma_semaphore, #tpu.memory_space<semaphore_mem>>, %arg13: memref<!tpu.dma_semaphore, #tpu.memory_space<semaphore_mem>>) attributes {dimension_semantics = [#tpu.dimension_semantics<core_parallel>, #tpu.dimension_semantics<subcore_parallel>], iteration_bounds = array<i64: 2, 16>, scalar_prefetch = 0 : i64, scratch_operands = 8 : i64, tpu.core_type = #tpu.core_type<sc_vector_subcore>, window_params = [{transform_indices = #map}, {transform_indices = #map1}, {transform_indices = #map1}, {transform_indices = #map1}]} {
    %mul3A = arith.constant 16 : i32
    %mul3A_0 = arith.muli %arg0, %mul3A : i32
    %add3A = arith.addi %mul3A_0, %arg1 : i32
    "tpu.region"() ({
      %run_scoped3A = tpu.sem_alloc : memref<!tpu.dma_semaphore, #tpu.memory_space<semaphore_mem>>
      %dma_start3A_106 = arith.constant 0 : i32
      %dma_start3A_107 = arith.constant 0 : i32
      %dma_start3A_108 = tpu.memref_slice %arg3[%add3A, %dma_start3A_106, %dma_start3A_107] : memref<32x80x128xi32, #tpu.memory_space<hbm>> -> memref<1x80x128xi32, #tpu.memory_space<hbm>>
      %dma_start3A_109 = tpu.memref_squeeze %dma_start3A_108 : memref<1x80x128xi32, #tpu.memory_space<hbm>> -> memref<80x128xi32, #tpu.memory_space<hbm>>
      %dma_start3A_110 = arith.constant 0 : i32
      %dma_start3A_111 = arith.constant 0 : i32
      %dma_start3A_112 = tpu.memref_slice %arg3[%add3A, %dma_start3A_110, %dma_start3A_111] : memref<32x80x128xi32, #tpu.memory_space<hbm>> -> memref<1x80x128xi32, #tpu.memory_space<hbm>>
      %dma_start3A_113 = tpu.memref_squeeze %dma_start3A_112 : memref<1x80x128xi32, #tpu.memory_space<hbm>> -> memref<80x128xi32, #tpu.memory_space<hbm>>
      tpu.enqueue_dma source(%dma_start3A_113 : memref<80x128xi32, #tpu.memory_space<hbm>>) target(%arg6 : memref<80x128xi32, #tpu.memory_space<vmem>>) target_semaphore(%run_scoped3A : memref<!tpu.dma_semaphore, #tpu.memory_space<semaphore_mem>>)
      %dma_wait3A_114 = arith.constant 0 : i32
      %dma_wait3A_115 = arith.constant 0 : i32
      %dma_wait3A_116 = tpu.memref_slice %arg3[%add3A, %dma_wait3A_114, %dma_wait3A_115] : memref<32x80x128xi32, #tpu.memory_space<hbm>> -> memref<1x80x128xi32, #tpu.memory_space<hbm>>
      %dma_wait3A_117 = tpu.memref_squeeze %dma_wait3A_116 : memref<1x80x128xi32, #tpu.memory_space<hbm>> -> memref<80x128xi32, #tpu.memory_space<hbm>>
      %dma_wait3A_118 = arith.constant 0 : i32
      %dma_wait3A_119 = arith.constant 0 : i32
      %dma_wait3A_120 = tpu.memref_slice %arg3[%add3A, %dma_wait3A_118, %dma_wait3A_119] : memref<32x80x128xi32, #tpu.memory_space<hbm>> -> memref<1x80x128xi32, #tpu.memory_space<hbm>>
      %dma_wait3A_121 = tpu.memref_squeeze %dma_wait3A_120 : memref<1x80x128xi32, #tpu.memory_space<hbm>> -> memref<80x128xi32, #tpu.memory_space<hbm>>
      tpu.wait_dma2 semaphore(%run_scoped3A : memref<!tpu.dma_semaphore, #tpu.memory_space<semaphore_mem>>) src(%dma_wait3A_121 : memref<80x128xi32, #tpu.memory_space<hbm>>) dst(%arg6 : memref<80x128xi32, #tpu.memory_space<vmem>>)
      tpu.yield
    }) : () -> ()
    "tpu.region"() ({
      %run_scoped3A = tpu.sem_alloc : memref<!tpu.dma_semaphore, #tpu.memory_space<semaphore_mem>>
      %dma_start3A_106 = arith.constant 0 : i32
      %dma_start3A_107 = arith.constant 0 : i32
      %dma_start3A_108 = tpu.memref_slice %arg4[%add3A, %dma_start3A_106, %dma_start3A_107] : memref<32x80x128xi32, #tpu.memory_space<hbm>> -> memref<1x80x128xi32, #tpu.memory_space<hbm>>
      %dma_start3A_109 = tpu.memref_squeeze %dma_start3A_108 : memref<1x80x128xi32, #tpu.memory_space<hbm>> -> memref<80x128xi32, #tpu.memory_space<hbm>>
      %dma_start3A_110 = arith.constant 0 : i32
      %dma_start3A_111 = arith.constant 0 : i32
      %dma_start3A_112 = tpu.memref_slice %arg4[%add3A, %dma_start3A_110, %dma_start3A_111] : memref<32x80x128xi32, #tpu.memory_space<hbm>> -> memref<1x80x128xi32, #tpu.memory_space<hbm>>
      %dma_start3A_113 = tpu.memref_squeeze %dma_start3A_112 : memref<1x80x128xi32, #tpu.memory_space<hbm>> -> memref<80x128xi32, #tpu.memory_space<hbm>>
      tpu.enqueue_dma source(%dma_start3A_113 : memref<80x128xi32, #tpu.memory_space<hbm>>) target(%arg7 : memref<80x128xi32, #tpu.memory_space<vmem>>) target_semaphore(%run_scoped3A : memref<!tpu.dma_semaphore, #tpu.memory_space<semaphore_mem>>)
      %dma_wait3A_114 = arith.constant 0 : i32
      %dma_wait3A_115 = arith.constant 0 : i32
      %dma_wait3A_116 = tpu.memref_slice %arg4[%add3A, %dma_wait3A_114, %dma_wait3A_115] : memref<32x80x128xi32, #tpu.memory_space<hbm>> -> memref<1x80x128xi32, #tpu.memory_space<hbm>>
      %dma_wait3A_117 = tpu.memref_squeeze %dma_wait3A_116 : memref<1x80x128xi32, #tpu.memory_space<hbm>> -> memref<80x128xi32, #tpu.memory_space<hbm>>
      %dma_wait3A_118 = arith.constant 0 : i32
      %dma_wait3A_119 = arith.constant 0 : i32
      %dma_wait3A_120 = tpu.memref_slice %arg4[%add3A, %dma_wait3A_118, %dma_wait3A_119] : memref<32x80x128xi32, #tpu.memory_space<hbm>> -> memref<1x80x128xi32, #tpu.memory_space<hbm>>
      %dma_wait3A_121 = tpu.memref_squeeze %dma_wait3A_120 : memref<1x80x128xi32, #tpu.memory_space<hbm>> -> memref<80x128xi32, #tpu.memory_space<hbm>>
      tpu.wait_dma2 semaphore(%run_scoped3A : memref<!tpu.dma_semaphore, #tpu.memory_space<semaphore_mem>>) src(%dma_wait3A_121 : memref<80x128xi32, #tpu.memory_space<hbm>>) dst(%arg7 : memref<80x128xi32, #tpu.memory_space<vmem>>)
      tpu.yield
    }) : () -> ()
    %broadcast_in_dim3A = arith.constant 0.000000e+00 : f32
    %broadcast_in_dim3A_1 = vector.broadcast %broadcast_in_dim3A : f32 to vector<16xf32>
    %scan3A = arith.constant 0 : i32
    %scan3A_2 = arith.constant 0 : i32
    %scan3A_3 = arith.constant 512 : i32
    %scan3A_4 = arith.addi %scan3A_2, %scan3A_3 : i32
    %scan3A_5 = arith.constant 1 : i32
    scf.for %scan3A_106 = %scan3A_2 to %scan3A_4 step %scan3A_5  : i32 {
      %shift_right_arithmetic3A = arith.constant 2 : i32
      %shift_right_arithmetic3A_107 = arith.shrsi %scan3A_106, %shift_right_arithmetic3A : i32
      %and3A = arith.constant 3 : i32
      %and3A_108 = arith.andi %scan3A_106, %and3A : i32
      %mul3A_109 = arith.constant 16 : i32
      %mul3A_110 = arith.muli %and3A_108, %mul3A_109 : i32
      %swap3A = arith.index_cast %shift_right_arithmetic3A_107 : i32 to index
      %swap3A_111 = arith.index_cast %mul3A_110 : i32 to index
      %swap3A_112 = tpu.vector_load %arg8[%swap3A, %swap3A_111] {strides = array<i32>} : memref<128x64xf32, #tpu.memory_space<vmem>>, vector<1x16xf32>,
      %swap3A_113 = vector.shape_cast %swap3A_112 : vector<1x16xf32> to vector<16xf32>
      %swap3A_114 = vector.shape_cast %broadcast_in_dim3A_1 : vector<16xf32> to vector<1x16xf32>
      tpu.vector_store %arg8[%swap3A, %swap3A_111], %swap3A_114 {strides = array<i32>} : memref<128x64xf32, #tpu.memory_space<vmem>>, vector<1x16xf32>,
    }
    %scan3A_6 = arith.constant 512 : i32
    %mul3A_7 = arith.constant 640 : i32
    %mul3A_8 = arith.muli %arg1, %mul3A_7 : i32
    %add3A_9 = arith.constant 0 : i32
    %add3A_10 = arith.addi %mul3A_8, %add3A_9 : i32
    "tpu.region"() ({
      %run_scoped3A = tpu.sem_alloc : memref<!tpu.dma_semaphore, #tpu.memory_space<semaphore_mem>>
      %dma_start3A_106 = arith.constant 0 : i32
      %dma_start3A_107 = tpu.memref_slice %arg11[%add3A_10, %dma_start3A_106] : memref<10240x64xf32, #tpu.memory_space<vmem_shared>> -> memref<128x64xf32, #tpu.memory_space<vmem_shared>>
      %dma_start3A_108 = arith.constant 0 : i32
      %dma_start3A_109 = tpu.memref_slice %arg11[%add3A_10, %dma_start3A_108] : memref<10240x64xf32, #tpu.memory_space<vmem_shared>> -> memref<128x64xf32, #tpu.memory_space<vmem_shared>>
      tpu.enqueue_dma source(%arg8 : memref<128x64xf32, #tpu.memory_space<vmem>>) target(%dma_start3A_109 : memref<128x64xf32, #tpu.memory_space<vmem_shared>>) target_semaphore(%run_scoped3A : memref<!tpu.dma_semaphore, #tpu.memory_space<semaphore_mem>>)
      %dma_wait3A_110 = arith.constant 0 : i32
      %dma_wait3A_111 = tpu.memref_slice %arg11[%add3A_10, %dma_wait3A_110] : memref<10240x64xf32, #tpu.memory_space<vmem_shared>> -> memref<128x64xf32, #tpu.memory_space<vmem_shared>>
      %dma_wait3A_112 = arith.constant 0 : i32
      %dma_wait3A_113 = tpu.memref_slice %arg11[%add3A_10, %dma_wait3A_112] : memref<10240x64xf32, #tpu.memory_space<vmem_shared>> -> memref<128x64xf32, #tpu.memory_space<vmem_shared>>
      tpu.wait_dma2 semaphore(%run_scoped3A : memref<!tpu.dma_semaphore, #tpu.memory_space<semaphore_mem>>) src(%arg8 : memref<128x64xf32, #tpu.memory_space<vmem>>) dst(%dma_wait3A_113 : memref<128x64xf32, #tpu.memory_space<vmem_shared>>)
      tpu.yield
    }) : () -> ()
    %mul3A_11 = arith.constant 640 : i32
    %mul3A_12 = arith.muli %arg1, %mul3A_11 : i32
    %add3A_13 = arith.constant 128 : i32
    %add3A_14 = arith.addi %mul3A_12, %add3A_13 : i32
    "tpu.region"() ({
      %run_scoped3A = tpu.sem_alloc : memref<!tpu.dma_semaphore, #tpu.memory_space<semaphore_mem>>
      %dma_start3A_106 = arith.constant 0 : i32
      %dma_start3A_107 = tpu.memref_slice %arg11[%add3A_14, %dma_start3A_106] : memref<10240x64xf32, #tpu.memory_space<vmem_shared>> -> memref<128x64xf32, #tpu.memory_space<vmem_shared>>
      %dma_start3A_108 = arith.constant 0 : i32
      %dma_start3A_109 = tpu.memref_slice %arg11[%add3A_14, %dma_start3A_108] : memref<10240x64xf32, #tpu.memory_space<vmem_shared>> -> memref<128x64xf32, #tpu.memory_space<vmem_shared>>
      tpu.enqueue_dma source(%arg8 : memref<128x64xf32, #tpu.memory_space<vmem>>) target(%dma_start3A_109 : memref<128x64xf32, #tpu.memory_space<vmem_shared>>) target_semaphore(%run_scoped3A : memref<!tpu.dma_semaphore, #tpu.memory_space<semaphore_mem>>)
      %dma_wait3A_110 = arith.constant 0 : i32
      %dma_wait3A_111 = tpu.memref_slice %arg11[%add3A_14, %dma_wait3A_110] : memref<10240x64xf32, #tpu.memory_space<vmem_shared>> -> memref<128x64xf32, #tpu.memory_space<vmem_shared>>
      %dma_wait3A_112 = arith.constant 0 : i32
      %dma_wait3A_113 = tpu.memref_slice %arg11[%add3A_14, %dma_wait3A_112] : memref<10240x64xf32, #tpu.memory_space<vmem_shared>> -> memref<128x64xf32, #tpu.memory_space<vmem_shared>>
      tpu.wait_dma2 semaphore(%run_scoped3A : memref<!tpu.dma_semaphore, #tpu.memory_space<semaphore_mem>>) src(%arg8 : memref<128x64xf32, #tpu.memory_space<vmem>>) dst(%dma_wait3A_113 : memref<128x64xf32, #tpu.memory_space<vmem_shared>>)
      tpu.yield
    }) : () -> ()
    %mul3A_15 = arith.constant 640 : i32
    %mul3A_16 = arith.muli %arg1, %mul3A_15 : i32
    %add3A_17 = arith.constant 256 : i32
    %add3A_18 = arith.addi %mul3A_16, %add3A_17 : i32
    "tpu.region"() ({
      %run_scoped3A = tpu.sem_alloc : memref<!tpu.dma_semaphore, #tpu.memory_space<semaphore_mem>>
      %dma_start3A_106 = arith.constant 0 : i32
      %dma_start3A_107 = tpu.memref_slice %arg11[%add3A_18, %dma_start3A_106] : memref<10240x64xf32, #tpu.memory_space<vmem_shared>> -> memref<128x64xf32, #tpu.memory_space<vmem_shared>>
      %dma_start3A_108 = arith.constant 0 : i32
      %dma_start3A_109 = tpu.memref_slice %arg11[%add3A_18, %dma_start3A_108] : memref<10240x64xf32, #tpu.memory_space<vmem_shared>> -> memref<128x64xf32, #tpu.memory_space<vmem_shared>>
      tpu.enqueue_dma source(%arg8 : memref<128x64xf32, #tpu.memory_space<vmem>>) target(%dma_start3A_109 : memref<128x64xf32, #tpu.memory_space<vmem_shared>>) target_semaphore(%run_scoped3A : memref<!tpu.dma_semaphore, #tpu.memory_space<semaphore_mem>>)
      %dma_wait3A_110 = arith.constant 0 : i32
      %dma_wait3A_111 = tpu.memref_slice %arg11[%add3A_18, %dma_wait3A_110] : memref<10240x64xf32, #tpu.memory_space<vmem_shared>> -> memref<128x64xf32, #tpu.memory_space<vmem_shared>>
      %dma_wait3A_112 = arith.constant 0 : i32
      %dma_wait3A_113 = tpu.memref_slice %arg11[%add3A_18, %dma_wait3A_112] : memref<10240x64xf32, #tpu.memory_space<vmem_shared>> -> memref<128x64xf32, #tpu.memory_space<vmem_shared>>
      tpu.wait_dma2 semaphore(%run_scoped3A : memref<!tpu.dma_semaphore, #tpu.memory_space<semaphore_mem>>) src(%arg8 : memref<128x64xf32, #tpu.memory_space<vmem>>) dst(%dma_wait3A_113 : memref<128x64xf32, #tpu.memory_space<vmem_shared>>)
      tpu.yield
    }) : () -> ()
    %mul3A_19 = arith.constant 640 : i32
    %mul3A_20 = arith.muli %arg1, %mul3A_19 : i32
    %add3A_21 = arith.constant 384 : i32
    %add3A_22 = arith.addi %mul3A_20, %add3A_21 : i32
    "tpu.region"() ({
      %run_scoped3A = tpu.sem_alloc : memref<!tpu.dma_semaphore, #tpu.memory_space<semaphore_mem>>
      %dma_start3A_106 = arith.constant 0 : i32
      %dma_start3A_107 = tpu.memref_slice %arg11[%add3A_22, %dma_start3A_106] : memref<10240x64xf32, #tpu.memory_space<vmem_shared>> -> memref<128x64xf32, #tpu.memory_space<vmem_shared>>
      %dma_start3A_108 = arith.constant 0 : i32
      %dma_start3A_109 = tpu.memref_slice %arg11[%add3A_22, %dma_start3A_108] : memref<10240x64xf32, #tpu.memory_space<vmem_shared>> -> memref<128x64xf32, #tpu.memory_space<vmem_shared>>
      tpu.enqueue_dma source(%arg8 : memref<128x64xf32, #tpu.memory_space<vmem>>) target(%dma_start3A_109 : memref<128x64xf32, #tpu.memory_space<vmem_shared>>) target_semaphore(%run_scoped3A : memref<!tpu.dma_semaphore, #tpu.memory_space<semaphore_mem>>)
      %dma_wait3A_110 = arith.constant 0 : i32
      %dma_wait3A_111 = tpu.memref_slice %arg11[%add3A_22, %dma_wait3A_110] : memref<10240x64xf32, #tpu.memory_space<vmem_shared>> -> memref<128x64xf32, #tpu.memory_space<vmem_shared>>
      %dma_wait3A_112 = arith.constant 0 : i32
      %dma_wait3A_113 = tpu.memref_slice %arg11[%add3A_22, %dma_wait3A_112] : memref<10240x64xf32, #tpu.memory_space<vmem_shared>> -> memref<128x64xf32, #tpu.memory_space<vmem_shared>>
      tpu.wait_dma2 semaphore(%run_scoped3A : memref<!tpu.dma_semaphore, #tpu.memory_space<semaphore_mem>>) src(%arg8 : memref<128x64xf32, #tpu.memory_space<vmem>>) dst(%dma_wait3A_113 : memref<128x64xf32, #tpu.memory_space<vmem_shared>>)
      tpu.yield
    }) : () -> ()
    %mul3A_23 = arith.constant 640 : i32
    %mul3A_24 = arith.muli %arg1, %mul3A_23 : i32
    %add3A_25 = arith.constant 512 : i32
    %add3A_26 = arith.addi %mul3A_24, %add3A_25 : i32
    "tpu.region"() ({
      %run_scoped3A = tpu.sem_alloc : memref<!tpu.dma_semaphore, #tpu.memory_space<semaphore_mem>>
      %dma_start3A_106 = arith.constant 0 : i32
      %dma_start3A_107 = tpu.memref_slice %arg11[%add3A_26, %dma_start3A_106] : memref<10240x64xf32, #tpu.memory_space<vmem_shared>> -> memref<128x64xf32, #tpu.memory_space<vmem_shared>>
      %dma_start3A_108 = arith.constant 0 : i32
      %dma_start3A_109 = tpu.memref_slice %arg11[%add3A_26, %dma_start3A_108] : memref<10240x64xf32, #tpu.memory_space<vmem_shared>> -> memref<128x64xf32, #tpu.memory_space<vmem_shared>>
      tpu.enqueue_dma source(%arg8 : memref<128x64xf32, #tpu.memory_space<vmem>>) target(%dma_start3A_109 : memref<128x64xf32, #tpu.memory_space<vmem_shared>>) target_semaphore(%run_scoped3A : memref<!tpu.dma_semaphore, #tpu.memory_space<semaphore_mem>>)
      %dma_wait3A_110 = arith.constant 0 : i32
      %dma_wait3A_111 = tpu.memref_slice %arg11[%add3A_26, %dma_wait3A_110] : memref<10240x64xf32, #tpu.memory_space<vmem_shared>> -> memref<128x64xf32, #tpu.memory_space<vmem_shared>>
      %dma_wait3A_112 = arith.constant 0 : i32
      %dma_wait3A_113 = tpu.memref_slice %arg11[%add3A_26, %dma_wait3A_112] : memref<10240x64xf32, #tpu.memory_space<vmem_shared>> -> memref<128x64xf32, #tpu.memory_space<vmem_shared>>
      tpu.wait_dma2 semaphore(%run_scoped3A : memref<!tpu.dma_semaphore, #tpu.memory_space<semaphore_mem>>) src(%arg8 : memref<128x64xf32, #tpu.memory_space<vmem>>) dst(%dma_wait3A_113 : memref<128x64xf32, #tpu.memory_space<vmem_shared>>)
      tpu.yield
    }) : () -> ()
    %dma_start3A = arith.constant 0 : i32
    %dma_start3A_27 = arith.constant 0 : i32
    %dma_start3A_28 = tpu.memref_slice %arg6[%dma_start3A, %dma_start3A_27] : memref<80x128xi32, #tpu.memory_space<vmem>> -> memref<1x128xi32, #tpu.memory_space<vmem>>
    %dma_start3A_29 = tpu.memref_squeeze %dma_start3A_28 : memref<1x128xi32, #tpu.memory_space<vmem>> -> memref<128xi32, #tpu.memory_space<vmem>>
    %dma_start3A_30 = arith.constant 0 : i32
    %dma_start3A_31 = arith.constant 0 : i32
    %dma_start3A_32 = tpu.memref_slice %arg2[%dma_start3A_30, %dma_start3A_31] : memref<10240x64xf32, #tpu.memory_space<hbm>> -> memref<10240x64xf32, #tpu.memory_space<hbm>>
    tpu.enqueue_indirect_dma source(%dma_start3A_32 : memref<10240x64xf32, #tpu.memory_space<hbm>>) target(%arg8 : memref<128x64xf32, #tpu.memory_space<vmem>>) offsets(%dma_start3A_29 : memref<128xi32, #tpu.memory_space<vmem>>) semaphore(%arg12 : memref<!tpu.dma_semaphore, #tpu.memory_space<semaphore_mem>>)
    %dma_start3A_33 = arith.constant 1 : i32
    %dma_start3A_34 = arith.constant 0 : i32
    %dma_start3A_35 = tpu.memref_slice %arg6[%dma_start3A_33, %dma_start3A_34] : memref<80x128xi32, #tpu.memory_space<vmem>> -> memref<1x128xi32, #tpu.memory_space<vmem>>
    %dma_start3A_36 = tpu.memref_squeeze %dma_start3A_35 : memref<1x128xi32, #tpu.memory_space<vmem>> -> memref<128xi32, #tpu.memory_space<vmem>>
    %dma_start3A_37 = arith.constant 0 : i32
    %dma_start3A_38 = arith.constant 0 : i32
    %dma_start3A_39 = tpu.memref_slice %arg2[%dma_start3A_37, %dma_start3A_38] : memref<10240x64xf32, #tpu.memory_space<hbm>> -> memref<10240x64xf32, #tpu.memory_space<hbm>>
    tpu.enqueue_indirect_dma source(%dma_start3A_39 : memref<10240x64xf32, #tpu.memory_space<hbm>>) target(%arg9 : memref<128x64xf32, #tpu.memory_space<vmem>>) offsets(%dma_start3A_36 : memref<128xi32, #tpu.memory_space<vmem>>) semaphore(%arg12 : memref<!tpu.dma_semaphore, #tpu.memory_space<semaphore_mem>>)
    %barrier3A = arith.constant 0 : index
    tpu.barrier barrier_id(%barrier3A)
    %dma_wait3A = arith.constant 0 : i32
    %dma_wait3A_40 = arith.constant 0 : i32
    %dma_wait3A_41 = tpu.memref_slice %arg6[%dma_wait3A, %dma_wait3A_40] : memref<80x128xi32, #tpu.memory_space<vmem>> -> memref<1x128xi32, #tpu.memory_space<vmem>>
    %dma_wait3A_42 = tpu.memref_squeeze %dma_wait3A_41 : memref<1x128xi32, #tpu.memory_space<vmem>> -> memref<128xi32, #tpu.memory_space<vmem>>
    %dma_wait3A_43 = arith.constant 0 : i32
    %dma_wait3A_44 = arith.constant 0 : i32
    %dma_wait3A_45 = tpu.memref_slice %arg2[%dma_wait3A_43, %dma_wait3A_44] : memref<10240x64xf32, #tpu.memory_space<hbm>> -> memref<10240x64xf32, #tpu.memory_space<hbm>>
    tpu.wait_indirect_dma semaphore(%arg12 : memref<!tpu.dma_semaphore, #tpu.memory_space<semaphore_mem>>) src(%dma_wait3A_45 : memref<10240x64xf32, #tpu.memory_space<hbm>>) dst(%arg8 : memref<128x64xf32, #tpu.memory_space<vmem>>)
    %dma_start3A_46 = arith.constant 0 : i32
    %dma_start3A_47 = arith.constant 0 : i32
    %dma_start3A_48 = tpu.memref_slice %arg7[%dma_start3A_46, %dma_start3A_47] : memref<80x128xi32, #tpu.memory_space<vmem>> -> memref<1x128xi32, #tpu.memory_space<vmem>>
    %dma_start3A_49 = tpu.memref_squeeze %dma_start3A_48 : memref<1x128xi32, #tpu.memory_space<vmem>> -> memref<128xi32, #tpu.memory_space<vmem>>
    %dma_start3A_50 = arith.constant 0 : i32
    %dma_start3A_51 = arith.constant 0 : i32
    %dma_start3A_52 = tpu.memref_slice %arg11[%dma_start3A_50, %dma_start3A_51] : memref<10240x64xf32, #tpu.memory_space<vmem_shared>> -> memref<10240x64xf32, #tpu.memory_space<vmem_shared>>
    tpu.enqueue_indirect_dma source(%arg8 : memref<128x64xf32, #tpu.memory_space<vmem>>) target(%dma_start3A_52 : memref<10240x64xf32, #tpu.memory_space<vmem_shared>>) offsets(%dma_start3A_49 : memref<128xi32, #tpu.memory_space<vmem>>) semaphore(%arg13 : memref<!tpu.dma_semaphore, #tpu.memory_space<semaphore_mem>>) {add = true}
    %dma_start3A_53 = arith.constant 2 : i32
    %dma_start3A_54 = arith.constant 0 : i32
    %dma_start3A_55 = tpu.memref_slice %arg6[%dma_start3A_53, %dma_start3A_54] : memref<80x128xi32, #tpu.memory_space<vmem>> -> memref<1x128xi32, #tpu.memory_space<vmem>>
    %dma_start3A_56 = tpu.memref_squeeze %dma_start3A_55 : memref<1x128xi32, #tpu.memory_space<vmem>> -> memref<128xi32, #tpu.memory_space<vmem>>
    %dma_start3A_57 = arith.constant 0 : i32
    %dma_start3A_58 = arith.constant 0 : i32
    %dma_start3A_59 = tpu.memref_slice %arg2[%dma_start3A_57, %dma_start3A_58] : memref<10240x64xf32, #tpu.memory_space<hbm>> -> memref<10240x64xf32, #tpu.memory_space<hbm>>
    tpu.enqueue_indirect_dma source(%dma_start3A_59 : memref<10240x64xf32, #tpu.memory_space<hbm>>) target(%arg10 : memref<128x64xf32, #tpu.memory_space<vmem>>) offsets(%dma_start3A_56 : memref<128xi32, #tpu.memory_space<vmem>>) semaphore(%arg12 : memref<!tpu.dma_semaphore, #tpu.memory_space<semaphore_mem>>)
    %dma_wait3A_60 = arith.constant 1 : i32
    %dma_wait3A_61 = arith.constant 0 : i32
    %dma_wait3A_62 = tpu.memref_slice %arg6[%dma_wait3A_60, %dma_wait3A_61] : memref<80x128xi32, #tpu.memory_space<vmem>> -> memref<1x128xi32, #tpu.memory_space<vmem>>
    %dma_wait3A_63 = tpu.memref_squeeze %dma_wait3A_62 : memref<1x128xi32, #tpu.memory_space<vmem>> -> memref<128xi32, #tpu.memory_space<vmem>>
    %dma_wait3A_64 = arith.constant 0 : i32
    %dma_wait3A_65 = arith.constant 0 : i32
    %dma_wait3A_66 = tpu.memref_slice %arg2[%dma_wait3A_64, %dma_wait3A_65] : memref<10240x64xf32, #tpu.memory_space<hbm>> -> memref<10240x64xf32, #tpu.memory_space<hbm>>
    tpu.wait_indirect_dma semaphore(%arg12 : memref<!tpu.dma_semaphore, #tpu.memory_space<semaphore_mem>>) src(%dma_wait3A_66 : memref<10240x64xf32, #tpu.memory_space<hbm>>) dst(%arg9 : memref<128x64xf32, #tpu.memory_space<vmem>>)
    %dma_start3A_67 = arith.constant 1 : i32
    %dma_start3A_68 = arith.constant 0 : i32
    %dma_start3A_69 = tpu.memref_slice %arg7[%dma_start3A_67, %dma_start3A_68] : memref<80x128xi32, #tpu.memory_space<vmem>> -> memref<1x128xi32, #tpu.memory_space<vmem>>
    %dma_start3A_70 = tpu.memref_squeeze %dma_start3A_69 : memref<1x128xi32, #tpu.memory_space<vmem>> -> memref<128xi32, #tpu.memory_space<vmem>>
    %dma_start3A_71 = arith.constant 0 : i32
    %dma_start3A_72 = arith.constant 0 : i32
    %dma_start3A_73 = tpu.memref_slice %arg11[%dma_start3A_71, %dma_start3A_72] : memref<10240x64xf32, #tpu.memory_space<vmem_shared>> -> memref<10240x64xf32, #tpu.memory_space<vmem_shared>>
    tpu.enqueue_indirect_dma source(%arg9 : memref<128x64xf32, #tpu.memory_space<vmem>>) target(%dma_start3A_73 : memref<10240x64xf32, #tpu.memory_space<vmem_shared>>) offsets(%dma_start3A_70 : memref<128xi32, #tpu.memory_space<vmem>>) semaphore(%arg13 : memref<!tpu.dma_semaphore, #tpu.memory_space<semaphore_mem>>) {add = true}
    %dma_wait3A_74 = arith.constant 0 : i32
    %dma_wait3A_75 = arith.constant 0 : i32
    %dma_wait3A_76 = tpu.memref_slice %arg7[%dma_wait3A_74, %dma_wait3A_75] : memref<80x128xi32, #tpu.memory_space<vmem>> -> memref<1x128xi32, #tpu.memory_space<vmem>>
    %dma_wait3A_77 = tpu.memref_squeeze %dma_wait3A_76 : memref<1x128xi32, #tpu.memory_space<vmem>> -> memref<128xi32, #tpu.memory_space<vmem>>
    %dma_wait3A_78 = arith.constant 0 : i32
    %dma_wait3A_79 = arith.constant 0 : i32
    %dma_wait3A_80 = tpu.memref_slice %arg11[%dma_wait3A_78, %dma_wait3A_79] : memref<10240x64xf32, #tpu.memory_space<vmem_shared>> -> memref<10240x64xf32, #tpu.memory_space<vmem_shared>>
    tpu.wait_indirect_dma semaphore(%arg13 : memref<!tpu.dma_semaphore, #tpu.memory_space<semaphore_mem>>) src(%arg8 : memref<128x64xf32, #tpu.memory_space<vmem>>) dst(%dma_wait3A_80 : memref<10240x64xf32, #tpu.memory_space<vmem_shared>>)
    %dma_start3A_81 = arith.constant 3 : i32
    %dma_start3A_82 = arith.constant 0 : i32
    %dma_start3A_83 = tpu.memref_slice %arg6[%dma_start3A_81, %dma_start3A_82] : memref<80x128xi32, #tpu.memory_space<vmem>> -> memref<1x128xi32, #tpu.memory_space<vmem>>
    %dma_start3A_84 = tpu.memref_squeeze %dma_start3A_83 : memref<1x128xi32, #tpu.memory_space<vmem>> -> memref<128xi32, #tpu.memory_space<vmem>>
    %dma_start3A_85 = arith.constant 0 : i32
    %dma_start3A_86 = arith.constant 0 : i32
    %dma_start3A_87 = tpu.memref_slice %arg2[%dma_start3A_85, %dma_start3A_86] : memref<10240x64xf32, #tpu.memory_space<hbm>> -> memref<10240x64xf32, #tpu.memory_space<hbm>>
    tpu.enqueue_indirect_dma source(%dma_start3A_87 : memref<10240x64xf32, #tpu.memory_space<hbm>>) target(%arg8 : memref<128x64xf32, #tpu.memory_space<vmem>>) offsets(%dma_start3A_84 : memref<128xi32, #tpu.memory_space<vmem>>) semaphore(%arg12 : memref<!tpu.dma_semaphore, #tpu.memory_space<semaphore_mem>>)
    %scan3A_88 = arith.constant 0 : i32
    %scan3A_89 = arith.constant 0 : i32
    %scan3A_90 = arith.constant 26 : i32
    %scan3A_91 = arith.addi %scan3A_89, %scan3A_90 : i32
    %scan3A_92 = arith.constant 1 : i32
    scf.for %scan3A_106 = %scan3A_89 to %scan3A_91 step %scan3A_92  : i32 {
      %mul3A_107 = arith.constant 3 : i32
      %mul3A_108 = arith.muli %mul3A_107, %scan3A_106 : i32
      %add3A_109 = arith.constant 2 : i32
      %add3A_110 = arith.addi %add3A_109, %mul3A_108 : i32
      %add3A_111 = arith.constant 0 : i32
      %add3A_112 = arith.addi %add3A_110, %add3A_111 : i32
      %dma_wait3A_113 = arith.constant 0 : i32
      %dma_wait3A_114 = tpu.memref_slice %arg6[%add3A_112, %dma_wait3A_113] : memref<80x128xi32, #tpu.memory_space<vmem>> -> memref<1x128xi32, #tpu.memory_space<vmem>>
      %dma_wait3A_115 = tpu.memref_squeeze %dma_wait3A_114 : memref<1x128xi32, #tpu.memory_space<vmem>> -> memref<128xi32, #tpu.memory_space<vmem>>
      %dma_wait3A_116 = arith.constant 0 : i32
      %dma_wait3A_117 = arith.constant 0 : i32
      %dma_wait3A_118 = tpu.memref_slice %arg2[%dma_wait3A_116, %dma_wait3A_117] : memref<10240x64xf32, #tpu.memory_space<hbm>> -> memref<10240x64xf32, #tpu.memory_space<hbm>>
      tpu.wait_indirect_dma semaphore(%arg12 : memref<!tpu.dma_semaphore, #tpu.memory_space<semaphore_mem>>) src(%dma_wait3A_118 : memref<10240x64xf32, #tpu.memory_space<hbm>>) dst(%arg10 : memref<128x64xf32, #tpu.memory_space<vmem>>)
      %dma_start3A_119 = arith.constant 0 : i32
      %dma_start3A_120 = tpu.memref_slice %arg7[%add3A_112, %dma_start3A_119] : memref<80x128xi32, #tpu.memory_space<vmem>> -> memref<1x128xi32, #tpu.memory_space<vmem>>
      %dma_start3A_121 = tpu.memref_squeeze %dma_start3A_120 : memref<1x128xi32, #tpu.memory_space<vmem>> -> memref<128xi32, #tpu.memory_space<vmem>>
      %dma_start3A_122 = arith.constant 0 : i32
      %dma_start3A_123 = arith.constant 0 : i32
      %dma_start3A_124 = tpu.memref_slice %arg11[%dma_start3A_122, %dma_start3A_123] : memref<10240x64xf32, #tpu.memory_space<vmem_shared>> -> memref<10240x64xf32, #tpu.memory_space<vmem_shared>>
      tpu.enqueue_indirect_dma source(%arg10 : memref<128x64xf32, #tpu.memory_space<vmem>>) target(%dma_start3A_124 : memref<10240x64xf32, #tpu.memory_space<vmem_shared>>) offsets(%dma_start3A_121 : memref<128xi32, #tpu.memory_space<vmem>>) semaphore(%arg13 : memref<!tpu.dma_semaphore, #tpu.memory_space<semaphore_mem>>) {add = true}
      %sub3A = arith.constant 1 : i32
      %sub3A_125 = arith.subi %add3A_112, %sub3A : i32
      %dma_wait3A_126 = arith.constant 0 : i32
      %dma_wait3A_127 = tpu.memref_slice %arg7[%sub3A_125, %dma_wait3A_126] : memref<80x128xi32, #tpu.memory_space<vmem>> -> memref<1x128xi32, #tpu.memory_space<vmem>>
      %dma_wait3A_128 = tpu.memref_squeeze %dma_wait3A_127 : memref<1x128xi32, #tpu.memory_space<vmem>> -> memref<128xi32, #tpu.memory_space<vmem>>
      %dma_wait3A_129 = arith.constant 0 : i32
      %dma_wait3A_130 = arith.constant 0 : i32
      %dma_wait3A_131 = tpu.memref_slice %arg11[%dma_wait3A_129, %dma_wait3A_130] : memref<10240x64xf32, #tpu.memory_space<vmem_shared>> -> memref<10240x64xf32, #tpu.memory_space<vmem_shared>>
      tpu.wait_indirect_dma semaphore(%arg13 : memref<!tpu.dma_semaphore, #tpu.memory_space<semaphore_mem>>) src(%arg9 : memref<128x64xf32, #tpu.memory_space<vmem>>) dst(%dma_wait3A_131 : memref<10240x64xf32, #tpu.memory_space<vmem_shared>>)
      %add3A_132 = arith.constant 2 : i32
      %add3A_133 = arith.addi %add3A_112, %add3A_132 : i32
      %lt3A = arith.constant 80 : i32
      %lt3A_134 = arith.cmpi slt, %add3A_133, %lt3A : i32
      %convert_element_type3A = arith.extui %lt3A_134 : i1 to i32
      %cond3A = arith.constant 0 : i32
      %cond3A_135 = arith.cmpi ne, %convert_element_type3A, %cond3A : i32
      scf.if %cond3A_135 {
        %add3A_194 = arith.constant 2 : i32
        %add3A_195 = arith.addi %add3A_112, %add3A_194 : i32
        %dma_start3A_196 = arith.constant 0 : i32
        %dma_start3A_197 = tpu.memref_slice %arg6[%add3A_195, %dma_start3A_196] : memref<80x128xi32, #tpu.memory_space<vmem>> -> memref<1x128xi32, #tpu.memory_space<vmem>>
        %dma_start3A_198 = tpu.memref_squeeze %dma_start3A_197 : memref<1x128xi32, #tpu.memory_space<vmem>> -> memref<128xi32, #tpu.memory_space<vmem>>
        %dma_start3A_199 = arith.constant 0 : i32
        %dma_start3A_200 = arith.constant 0 : i32
        %dma_start3A_201 = tpu.memref_slice %arg2[%dma_start3A_199, %dma_start3A_200] : memref<10240x64xf32, #tpu.memory_space<hbm>> -> memref<10240x64xf32, #tpu.memory_space<hbm>>
        tpu.enqueue_indirect_dma source(%dma_start3A_201 : memref<10240x64xf32, #tpu.memory_space<hbm>>) target(%arg9 : memref<128x64xf32, #tpu.memory_space<vmem>>) offsets(%dma_start3A_198 : memref<128xi32, #tpu.memory_space<vmem>>) semaphore(%arg12 : memref<!tpu.dma_semaphore, #tpu.memory_space<semaphore_mem>>)
      } else {
      }
      %add3A_136 = arith.constant 1 : i32
      %add3A_137 = arith.addi %add3A_110, %add3A_136 : i32
      %dma_wait3A_138 = arith.constant 0 : i32
      %dma_wait3A_139 = tpu.memref_slice %arg6[%add3A_137, %dma_wait3A_138] : memref<80x128xi32, #tpu.memory_space<vmem>> -> memref<1x128xi32, #tpu.memory_space<vmem>>
      %dma_wait3A_140 = tpu.memref_squeeze %dma_wait3A_139 : memref<1x128xi32, #tpu.memory_space<vmem>> -> memref<128xi32, #tpu.memory_space<vmem>>
      %dma_wait3A_141 = arith.constant 0 : i32
      %dma_wait3A_142 = arith.constant 0 : i32
      %dma_wait3A_143 = tpu.memref_slice %arg2[%dma_wait3A_141, %dma_wait3A_142] : memref<10240x64xf32, #tpu.memory_space<hbm>> -> memref<10240x64xf32, #tpu.memory_space<hbm>>
      tpu.wait_indirect_dma semaphore(%arg12 : memref<!tpu.dma_semaphore, #tpu.memory_space<semaphore_mem>>) src(%dma_wait3A_143 : memref<10240x64xf32, #tpu.memory_space<hbm>>) dst(%arg8 : memref<128x64xf32, #tpu.memory_space<vmem>>)
      %dma_start3A_144 = arith.constant 0 : i32
      %dma_start3A_145 = tpu.memref_slice %arg7[%add3A_137, %dma_start3A_144] : memref<80x128xi32, #tpu.memory_space<vmem>> -> memref<1x128xi32, #tpu.memory_space<vmem>>
      %dma_start3A_146 = tpu.memref_squeeze %dma_start3A_145 : memref<1x128xi32, #tpu.memory_space<vmem>> -> memref<128xi32, #tpu.memory_space<vmem>>
      %dma_start3A_147 = arith.constant 0 : i32
      %dma_start3A_148 = arith.constant 0 : i32
      %dma_start3A_149 = tpu.memref_slice %arg11[%dma_start3A_147, %dma_start3A_148] : memref<10240x64xf32, #tpu.memory_space<vmem_shared>> -> memref<10240x64xf32, #tpu.memory_space<vmem_shared>>
      tpu.enqueue_indirect_dma source(%arg8 : memref<128x64xf32, #tpu.memory_space<vmem>>) target(%dma_start3A_149 : memref<10240x64xf32, #tpu.memory_space<vmem_shared>>) offsets(%dma_start3A_146 : memref<128xi32, #tpu.memory_space<vmem>>) semaphore(%arg13 : memref<!tpu.dma_semaphore, #tpu.memory_space<semaphore_mem>>) {add = true}
      %sub3A_150 = arith.constant 1 : i32
      %sub3A_151 = arith.subi %add3A_137, %sub3A_150 : i32
      %dma_wait3A_152 = arith.constant 0 : i32
      %dma_wait3A_153 = tpu.memref_slice %arg7[%sub3A_151, %dma_wait3A_152] : memref<80x128xi32, #tpu.memory_space<vmem>> -> memref<1x128xi32, #tpu.memory_space<vmem>>
      %dma_wait3A_154 = tpu.memref_squeeze %dma_wait3A_153 : memref<1x128xi32, #tpu.memory_space<vmem>> -> memref<128xi32, #tpu.memory_space<vmem>>
      %dma_wait3A_155 = arith.constant 0 : i32
      %dma_wait3A_156 = arith.constant 0 : i32
      %dma_wait3A_157 = tpu.memref_slice %arg11[%dma_wait3A_155, %dma_wait3A_156] : memref<10240x64xf32, #tpu.memory_space<vmem_shared>> -> memref<10240x64xf32, #tpu.memory_space<vmem_shared>>
      tpu.wait_indirect_dma semaphore(%arg13 : memref<!tpu.dma_semaphore, #tpu.memory_space<semaphore_mem>>) src(%arg10 : memref<128x64xf32, #tpu.memory_space<vmem>>) dst(%dma_wait3A_157 : memref<10240x64xf32, #tpu.memory_space<vmem_shared>>)
      %add3A_158 = arith.constant 2 : i32
      %add3A_159 = arith.addi %add3A_137, %add3A_158 : i32
      %lt3A_160 = arith.constant 80 : i32
      %lt3A_161 = arith.cmpi slt, %add3A_159, %lt3A_160 : i32
      %convert_element_type3A_162 = arith.extui %lt3A_161 : i1 to i32
      %cond3A_163 = arith.constant 0 : i32
      %cond3A_164 = arith.cmpi ne, %convert_element_type3A_162, %cond3A_163 : i32
      scf.if %cond3A_164 {
        %add3A_194 = arith.constant 2 : i32
        %add3A_195 = arith.addi %add3A_137, %add3A_194 : i32
        %dma_start3A_196 = arith.constant 0 : i32
        %dma_start3A_197 = tpu.memref_slice %arg6[%add3A_195, %dma_start3A_196] : memref<80x128xi32, #tpu.memory_space<vmem>> -> memref<1x128xi32, #tpu.memory_space<vmem>>
        %dma_start3A_198 = tpu.memref_squeeze %dma_start3A_197 : memref<1x128xi32, #tpu.memory_space<vmem>> -> memref<128xi32, #tpu.memory_space<vmem>>
        %dma_start3A_199 = arith.constant 0 : i32
        %dma_start3A_200 = arith.constant 0 : i32
        %dma_start3A_201 = tpu.memref_slice %arg2[%dma_start3A_199, %dma_start3A_200] : memref<10240x64xf32, #tpu.memory_space<hbm>> -> memref<10240x64xf32, #tpu.memory_space<hbm>>
        tpu.enqueue_indirect_dma source(%dma_start3A_201 : memref<10240x64xf32, #tpu.memory_space<hbm>>) target(%arg10 : memref<128x64xf32, #tpu.memory_space<vmem>>) offsets(%dma_start3A_198 : memref<128xi32, #tpu.memory_space<vmem>>) semaphore(%arg12 : memref<!tpu.dma_semaphore, #tpu.memory_space<semaphore_mem>>)
      } else {
      }
      %add3A_165 = arith.constant 2 : i32
      %add3A_166 = arith.addi %add3A_110, %add3A_165 : i32
      %dma_wait3A_167 = arith.constant 0 : i32
      %dma_wait3A_168 = tpu.memref_slice %arg6[%add3A_166, %dma_wait3A_167] : memref<80x128xi32, #tpu.memory_space<vmem>> -> memref<1x128xi32, #tpu.memory_space<vmem>>
      %dma_wait3A_169 = tpu.memref_squeeze %dma_wait3A_168 : memref<1x128xi32, #tpu.memory_space<vmem>> -> memref<128xi32, #tpu.memory_space<vmem>>
      %dma_wait3A_170 = arith.constant 0 : i32
      %dma_wait3A_171 = arith.constant 0 : i32
      %dma_wait3A_172 = tpu.memref_slice %arg2[%dma_wait3A_170, %dma_wait3A_171] : memref<10240x64xf32, #tpu.memory_space<hbm>> -> memref<10240x64xf32, #tpu.memory_space<hbm>>
      tpu.wait_indirect_dma semaphore(%arg12 : memref<!tpu.dma_semaphore, #tpu.memory_space<semaphore_mem>>) src(%dma_wait3A_172 : memref<10240x64xf32, #tpu.memory_space<hbm>>) dst(%arg9 : memref<128x64xf32, #tpu.memory_space<vmem>>)
      %dma_start3A_173 = arith.constant 0 : i32
      %dma_start3A_174 = tpu.memref_slice %arg7[%add3A_166, %dma_start3A_173] : memref<80x128xi32, #tpu.memory_space<vmem>> -> memref<1x128xi32, #tpu.memory_space<vmem>>
      %dma_start3A_175 = tpu.memref_squeeze %dma_start3A_174 : memref<1x128xi32, #tpu.memory_space<vmem>> -> memref<128xi32, #tpu.memory_space<vmem>>
      %dma_start3A_176 = arith.constant 0 : i32
      %dma_start3A_177 = arith.constant 0 : i32
      %dma_start3A_178 = tpu.memref_slice %arg11[%dma_start3A_176, %dma_start3A_177] : memref<10240x64xf32, #tpu.memory_space<vmem_shared>> -> memref<10240x64xf32, #tpu.memory_space<vmem_shared>>
      tpu.enqueue_indirect_dma source(%arg9 : memref<128x64xf32, #tpu.memory_space<vmem>>) target(%dma_start3A_178 : memref<10240x64xf32, #tpu.memory_space<vmem_shared>>) offsets(%dma_start3A_175 : memref<128xi32, #tpu.memory_space<vmem>>) semaphore(%arg13 : memref<!tpu.dma_semaphore, #tpu.memory_space<semaphore_mem>>) {add = true}
      %sub3A_179 = arith.constant 1 : i32
      %sub3A_180 = arith.subi %add3A_166, %sub3A_179 : i32
      %dma_wait3A_181 = arith.constant 0 : i32
      %dma_wait3A_182 = tpu.memref_slice %arg7[%sub3A_180, %dma_wait3A_181] : memref<80x128xi32, #tpu.memory_space<vmem>> -> memref<1x128xi32, #tpu.memory_space<vmem>>
      %dma_wait3A_183 = tpu.memref_squeeze %dma_wait3A_182 : memref<1x128xi32, #tpu.memory_space<vmem>> -> memref<128xi32, #tpu.memory_space<vmem>>
      %dma_wait3A_184 = arith.constant 0 : i32
      %dma_wait3A_185 = arith.constant 0 : i32
      %dma_wait3A_186 = tpu.memref_slice %arg11[%dma_wait3A_184, %dma_wait3A_185] : memref<10240x64xf32, #tpu.memory_space<vmem_shared>> -> memref<10240x64xf32, #tpu.memory_space<vmem_shared>>
      tpu.wait_indirect_dma semaphore(%arg13 : memref<!tpu.dma_semaphore, #tpu.memory_space<semaphore_mem>>) src(%arg8 : memref<128x64xf32, #tpu.memory_space<vmem>>) dst(%dma_wait3A_186 : memref<10240x64xf32, #tpu.memory_space<vmem_shared>>)
      %add3A_187 = arith.constant 2 : i32
      %add3A_188 = arith.addi %add3A_166, %add3A_187 : i32
      %lt3A_189 = arith.constant 80 : i32
      %lt3A_190 = arith.cmpi slt, %add3A_188, %lt3A_189 : i32
      %convert_element_type3A_191 = arith.extui %lt3A_190 : i1 to i32
      %cond3A_192 = arith.constant 0 : i32
      %cond3A_193 = arith.cmpi ne, %convert_element_type3A_191, %cond3A_192 : i32
      scf.if %cond3A_193 {
        %add3A_194 = arith.constant 2 : i32
        %add3A_195 = arith.addi %add3A_166, %add3A_194 : i32
        %dma_start3A_196 = arith.constant 0 : i32
        %dma_start3A_197 = tpu.memref_slice %arg6[%add3A_195, %dma_start3A_196] : memref<80x128xi32, #tpu.memory_space<vmem>> -> memref<1x128xi32, #tpu.memory_space<vmem>>
        %dma_start3A_198 = tpu.memref_squeeze %dma_start3A_197 : memref<1x128xi32, #tpu.memory_space<vmem>> -> memref<128xi32, #tpu.memory_space<vmem>>
        %dma_start3A_199 = arith.constant 0 : i32
        %dma_start3A_200 = arith.constant 0 : i32
        %dma_start3A_201 = tpu.memref_slice %arg2[%dma_start3A_199, %dma_start3A_200] : memref<10240x64xf32, #tpu.memory_space<hbm>> -> memref<10240x64xf32, #tpu.memory_space<hbm>>
        tpu.enqueue_indirect_dma source(%dma_start3A_201 : memref<10240x64xf32, #tpu.memory_space<hbm>>) target(%arg8 : memref<128x64xf32, #tpu.memory_space<vmem>>) offsets(%dma_start3A_198 : memref<128xi32, #tpu.memory_space<vmem>>) semaphore(%arg12 : memref<!tpu.dma_semaphore, #tpu.memory_space<semaphore_mem>>)
      } else {
      }
    }
    %scan3A_93 = arith.constant 26 : i32
    %dma_wait3A_94 = arith.constant 79 : i32
    %dma_wait3A_95 = arith.constant 0 : i32
    %dma_wait3A_96 = tpu.memref_slice %arg7[%dma_wait3A_94, %dma_wait3A_95] : memref<80x128xi32, #tpu.memory_space<vmem>> -> memref<1x128xi32, #tpu.memory_space<vmem>>
    %dma_wait3A_97 = tpu.memref_squeeze %dma_wait3A_96 : memref<1x128xi32, #tpu.memory_space<vmem>> -> memref<128xi32, #tpu.memory_space<vmem>>
    %dma_wait3A_98 = arith.constant 0 : i32
    %dma_wait3A_99 = arith.constant 0 : i32
    %dma_wait3A_100 = tpu.memref_slice %arg11[%dma_wait3A_98, %dma_wait3A_99] : memref<10240x64xf32, #tpu.memory_space<vmem_shared>> -> memref<10240x64xf32, #tpu.memory_space<vmem_shared>>
    tpu.wait_indirect_dma semaphore(%arg13 : memref<!tpu.dma_semaphore, #tpu.memory_space<semaphore_mem>>) src(%arg9 : memref<128x64xf32, #tpu.memory_space<vmem>>) dst(%dma_wait3A_100 : memref<10240x64xf32, #tpu.memory_space<vmem_shared>>)
    %barrier3A_101 = arith.constant 0 : index
    tpu.barrier barrier_id(%barrier3A_101)
    %mul3A_102 = arith.constant 640 : i32
    %mul3A_103 = arith.muli %arg1, %mul3A_102 : i32
    %mul3A_104 = arith.constant 640 : i32
    %mul3A_105 = arith.muli %arg1, %mul3A_104 : i32
    "tpu.region"() ({
      %run_scoped3A = tpu.sem_alloc : memref<!tpu.dma_semaphore, #tpu.memory_space<semaphore_mem>>
      %dma_start3A_106 = arith.constant 0 : i32
      %dma_start3A_107 = tpu.memref_slice %arg5[%arg0, %mul3A_105, %dma_start3A_106] : memref<2x10240x64xf32, #tpu.memory_space<hbm>> -> memref<1x640x64xf32, #tpu.memory_space<hbm>>
      %dma_start3A_108 = tpu.memref_squeeze %dma_start3A_107 : memref<1x640x64xf32, #tpu.memory_space<hbm>> -> memref<640x64xf32, #tpu.memory_space<hbm>>
      %dma_start3A_109 = arith.constant 0 : i32
      %dma_start3A_110 = tpu.memref_slice %arg11[%mul3A_103, %dma_start3A_109] : memref<10240x64xf32, #tpu.memory_space<vmem_shared>> -> memref<640x64xf32, #tpu.memory_space<vmem_shared>>
      tpu.enqueue_dma source(%dma_start3A_110 : memref<640x64xf32, #tpu.memory_space<vmem_shared>>) target(%dma_start3A_108 : memref<640x64xf32, #tpu.memory_space<hbm>>) target_semaphore(%run_scoped3A : memref<!tpu.dma_semaphore, #tpu.memory_space<semaphore_mem>>)
      %dma_wait3A_111 = arith.constant 0 : i32
      %dma_wait3A_112 = tpu.memref_slice %arg5[%arg0, %mul3A_105, %dma_wait3A_111] : memref<2x10240x64xf32, #tpu.memory_space<hbm>> -> memref<1x640x64xf32, #tpu.memory_space<hbm>>
      %dma_wait3A_113 = tpu.memref_squeeze %dma_wait3A_112 : memref<1x640x64xf32, #tpu.memory_space<hbm>> -> memref<640x64xf32, #tpu.memory_space<hbm>>
      %dma_wait3A_114 = arith.constant 0 : i32
      %dma_wait3A_115 = tpu.memref_slice %arg11[%mul3A_103, %dma_wait3A_114] : memref<10240x64xf32, #tpu.memory_space<vmem_shared>> -> memref<640x64xf32, #tpu.memory_space<vmem_shared>>
      tpu.wait_dma2 semaphore(%run_scoped3A : memref<!tpu.dma_semaphore, #tpu.memory_space<semaphore_mem>>) src(%dma_wait3A_115 : memref<640x64xf32, #tpu.memory_space<vmem_shared>>) dst(%dma_wait3A_113 : memref<640x64xf32, #tpu.memory_space<hbm>>)
      tpu.yield
    }) : () -> ()
    return
  }
}

#map = affine_map<(d0, d1) -> (0, 0)>
#map1 = affine_map<(d0, d1) -> (0, 0, 0)>
module attributes {stable_mosaic.version = 14 : i64} {
  func.func @_sc_prop(%arg0: i32, %arg1: i32, %arg2: memref<10240x64xf32, #tpu.memory_space<hbm>>, %arg3: memref<32x80x128xi32, #tpu.memory_space<hbm>>, %arg4: memref<32x80x128xi32, #tpu.memory_space<hbm>>, %arg5: memref<2x10240x64xf32, #tpu.memory_space<hbm>>, %arg6: memref<80x128xi32, #tpu.memory_space<vmem>>, %arg7: memref<80x128xi32, #tpu.memory_space<vmem>>, %arg8: memref<128x64xf32, #tpu.memory_space<vmem>>, %arg9: memref<128x64xf32, #tpu.memory_space<vmem>>, %arg10: memref<128x64xf32, #tpu.memory_space<vmem>>, %arg11: memref<10240x64xf32, #tpu.memory_space<vmem_shared>>, %arg12: memref<!tpu.dma_semaphore, #tpu.memory_space<semaphore_mem>>, %arg13: memref<!tpu.dma_semaphore, #tpu.memory_space<semaphore_mem>>) attributes {dimension_semantics = [#tpu.dimension_semantics<core_parallel>, #tpu.dimension_semantics<subcore_parallel>], iteration_bounds = array<i64: 2, 16>, scalar_prefetch = 0 : i64, scratch_operands = 8 : i64, tpu.core_type = #tpu.core_type<sc_vector_subcore>, window_params = [{transform_indices = #map}, {transform_indices = #map1}, {transform_indices = #map1}, {transform_indices = #map1}]} {
    %mul3A = arith.constant 16 : i32
    %mul3A_0 = arith.muli %arg0, %mul3A : i32
    %add3A = arith.addi %mul3A_0, %arg1 : i32
    "tpu.region"() ({
      %run_scoped3A = tpu.sem_alloc : memref<!tpu.dma_semaphore, #tpu.memory_space<semaphore_mem>>
      %dma_start3A_106 = arith.constant 0 : i32
      %dma_start3A_107 = arith.constant 0 : i32
      %dma_start3A_108 = tpu.memref_slice %arg3[%add3A, %dma_start3A_106, %dma_start3A_107] : memref<32x80x128xi32, #tpu.memory_space<hbm>> -> memref<1x80x128xi32, #tpu.memory_space<hbm>>
      %dma_start3A_109 = tpu.memref_squeeze %dma_start3A_108 : memref<1x80x128xi32, #tpu.memory_space<hbm>> -> memref<80x128xi32, #tpu.memory_space<hbm>>
      %dma_start3A_110 = arith.constant 0 : i32
      %dma_start3A_111 = arith.constant 0 : i32
      %dma_start3A_112 = tpu.memref_slice %arg3[%add3A, %dma_start3A_110, %dma_start3A_111] : memref<32x80x128xi32, #tpu.memory_space<hbm>> -> memref<1x80x128xi32, #tpu.memory_space<hbm>>
      %dma_start3A_113 = tpu.memref_squeeze %dma_start3A_112 : memref<1x80x128xi32, #tpu.memory_space<hbm>> -> memref<80x128xi32, #tpu.memory_space<hbm>>
      tpu.enqueue_dma source(%dma_start3A_113 : memref<80x128xi32, #tpu.memory_space<hbm>>) target(%arg6 : memref<80x128xi32, #tpu.memory_space<vmem>>) target_semaphore(%run_scoped3A : memref<!tpu.dma_semaphore, #tpu.memory_space<semaphore_mem>>)
      %dma_wait3A_114 = arith.constant 0 : i32
      %dma_wait3A_115 = arith.constant 0 : i32
      %dma_wait3A_116 = tpu.memref_slice %arg3[%add3A, %dma_wait3A_114, %dma_wait3A_115] : memref<32x80x128xi32, #tpu.memory_space<hbm>> -> memref<1x80x128xi32, #tpu.memory_space<hbm>>
      %dma_wait3A_117 = tpu.memref_squeeze %dma_wait3A_116 : memref<1x80x128xi32, #tpu.memory_space<hbm>> -> memref<80x128xi32, #tpu.memory_space<hbm>>
      %dma_wait3A_118 = arith.constant 0 : i32
      %dma_wait3A_119 = arith.constant 0 : i32
      %dma_wait3A_120 = tpu.memref_slice %arg3[%add3A, %dma_wait3A_118, %dma_wait3A_119] : memref<32x80x128xi32, #tpu.memory_space<hbm>> -> memref<1x80x128xi32, #tpu.memory_space<hbm>>
      %dma_wait3A_121 = tpu.memref_squeeze %dma_wait3A_120 : memref<1x80x128xi32, #tpu.memory_space<hbm>> -> memref<80x128xi32, #tpu.memory_space<hbm>>
      tpu.wait_dma2 semaphore(%run_scoped3A : memref<!tpu.dma_semaphore, #tpu.memory_space<semaphore_mem>>) src(%dma_wait3A_121 : memref<80x128xi32, #tpu.memory_space<hbm>>) dst(%arg6 : memref<80x128xi32, #tpu.memory_space<vmem>>)
      tpu.yield
    }) : () -> ()
    "tpu.region"() ({
      %run_scoped3A = tpu.sem_alloc : memref<!tpu.dma_semaphore, #tpu.memory_space<semaphore_mem>>
      %dma_start3A_106 = arith.constant 0 : i32
      %dma_start3A_107 = arith.constant 0 : i32
      %dma_start3A_108 = tpu.memref_slice %arg4[%add3A, %dma_start3A_106, %dma_start3A_107] : memref<32x80x128xi32, #tpu.memory_space<hbm>> -> memref<1x80x128xi32, #tpu.memory_space<hbm>>
      %dma_start3A_109 = tpu.memref_squeeze %dma_start3A_108 : memref<1x80x128xi32, #tpu.memory_space<hbm>> -> memref<80x128xi32, #tpu.memory_space<hbm>>
      %dma_start3A_110 = arith.constant 0 : i32
      %dma_start3A_111 = arith.constant 0 : i32
      %dma_start3A_112 = tpu.memref_slice %arg4[%add3A, %dma_start3A_110, %dma_start3A_111] : memref<32x80x128xi32, #tpu.memory_space<hbm>> -> memref<1x80x128xi32, #tpu.memory_space<hbm>>
      %dma_start3A_113 = tpu.memref_squeeze %dma_start3A_112 : memref<1x80x128xi32, #tpu.memory_space<hbm>> -> memref<80x128xi32, #tpu.memory_space<hbm>>
      tpu.enqueue_dma source(%dma_start3A_113 : memref<80x128xi32, #tpu.memory_space<hbm>>) target(%arg7 : memref<80x128xi32, #tpu.memory_space<vmem>>) target_semaphore(%run_scoped3A : memref<!tpu.dma_semaphore, #tpu.memory_space<semaphore_mem>>)
      %dma_wait3A_114 = arith.constant 0 : i32
      %dma_wait3A_115 = arith.constant 0 : i32
      %dma_wait3A_116 = tpu.memref_slice %arg4[%add3A, %dma_wait3A_114, %dma_wait3A_115] : memref<32x80x128xi32, #tpu.memory_space<hbm>> -> memref<1x80x128xi32, #tpu.memory_space<hbm>>
      %dma_wait3A_117 = tpu.memref_squeeze %dma_wait3A_116 : memref<1x80x128xi32, #tpu.memory_space<hbm>> -> memref<80x128xi32, #tpu.memory_space<hbm>>
      %dma_wait3A_118 = arith.constant 0 : i32
      %dma_wait3A_119 = arith.constant 0 : i32
      %dma_wait3A_120 = tpu.memref_slice %arg4[%add3A, %dma_wait3A_118, %dma_wait3A_119] : memref<32x80x128xi32, #tpu.memory_space<hbm>> -> memref<1x80x128xi32, #tpu.memory_space<hbm>>
      %dma_wait3A_121 = tpu.memref_squeeze %dma_wait3A_120 : memref<1x80x128xi32, #tpu.memory_space<hbm>> -> memref<80x128xi32, #tpu.memory_space<hbm>>
      tpu.wait_dma2 semaphore(%run_scoped3A : memref<!tpu.dma_semaphore, #tpu.memory_space<semaphore_mem>>) src(%dma_wait3A_121 : memref<80x128xi32, #tpu.memory_space<hbm>>) dst(%arg7 : memref<80x128xi32, #tpu.memory_space<vmem>>)
      tpu.yield
    }) : () -> ()
    %broadcast_in_dim3A = arith.constant 0.000000e+00 : f32
    %broadcast_in_dim3A_1 = vector.broadcast %broadcast_in_dim3A : f32 to vector<16xf32>
    %scan3A = arith.constant 0 : i32
    %scan3A_2 = arith.constant 0 : i32
    %scan3A_3 = arith.constant 512 : i32
    %scan3A_4 = arith.addi %scan3A_2, %scan3A_3 : i32
    %scan3A_5 = arith.constant 1 : i32
    scf.for %scan3A_106 = %scan3A_2 to %scan3A_4 step %scan3A_5  : i32 {
      %shift_right_arithmetic3A = arith.constant 2 : i32
      %shift_right_arithmetic3A_107 = arith.shrsi %scan3A_106, %shift_right_arithmetic3A : i32
      %and3A = arith.constant 3 : i32
      %and3A_108 = arith.andi %scan3A_106, %and3A : i32
      %mul3A_109 = arith.constant 16 : i32
      %mul3A_110 = arith.muli %and3A_108, %mul3A_109 : i32
      %swap3A = arith.index_cast %shift_right_arithmetic3A_107 : i32 to index
      %swap3A_111 = arith.index_cast %mul3A_110 : i32 to index
      %swap3A_112 = tpu.vector_load %arg8[%swap3A, %swap3A_111] {strides = array<i32>} : memref<128x64xf32, #tpu.memory_space<vmem>>, vector<1x16xf32>,
      %swap3A_113 = vector.shape_cast %swap3A_112 : vector<1x16xf32> to vector<16xf32>
      %swap3A_114 = vector.shape_cast %broadcast_in_dim3A_1 : vector<16xf32> to vector<1x16xf32>
      tpu.vector_store %arg8[%swap3A, %swap3A_111], %swap3A_114 {strides = array<i32>} : memref<128x64xf32, #tpu.memory_space<vmem>>, vector<1x16xf32>,
    }
    %scan3A_6 = arith.constant 512 : i32
    %mul3A_7 = arith.constant 640 : i32
    %mul3A_8 = arith.muli %arg1, %mul3A_7 : i32
    %add3A_9 = arith.constant 0 : i32
    %add3A_10 = arith.addi %mul3A_8, %add3A_9 : i32
    "tpu.region"() ({
      %run_scoped3A = tpu.sem_alloc : memref<!tpu.dma_semaphore, #tpu.memory_space<semaphore_mem>>
      %dma_start3A_106 = arith.constant 0 : i32
      %dma_start3A_107 = tpu.memref_slice %arg11[%add3A_10, %dma_start3A_106] : memref<10240x64xf32, #tpu.memory_space<vmem_shared>> -> memref<128x64xf32, #tpu.memory_space<vmem_shared>>
      %dma_start3A_108 = arith.constant 0 : i32
      %dma_start3A_109 = tpu.memref_slice %arg11[%add3A_10, %dma_start3A_108] : memref<10240x64xf32, #tpu.memory_space<vmem_shared>> -> memref<128x64xf32, #tpu.memory_space<vmem_shared>>
      tpu.enqueue_dma source(%arg8 : memref<128x64xf32, #tpu.memory_space<vmem>>) target(%dma_start3A_109 : memref<128x64xf32, #tpu.memory_space<vmem_shared>>) target_semaphore(%run_scoped3A : memref<!tpu.dma_semaphore, #tpu.memory_space<semaphore_mem>>)
      %dma_wait3A_110 = arith.constant 0 : i32
      %dma_wait3A_111 = tpu.memref_slice %arg11[%add3A_10, %dma_wait3A_110] : memref<10240x64xf32, #tpu.memory_space<vmem_shared>> -> memref<128x64xf32, #tpu.memory_space<vmem_shared>>
      %dma_wait3A_112 = arith.constant 0 : i32
      %dma_wait3A_113 = tpu.memref_slice %arg11[%add3A_10, %dma_wait3A_112] : memref<10240x64xf32, #tpu.memory_space<vmem_shared>> -> memref<128x64xf32, #tpu.memory_space<vmem_shared>>
      tpu.wait_dma2 semaphore(%run_scoped3A : memref<!tpu.dma_semaphore, #tpu.memory_space<semaphore_mem>>) src(%arg8 : memref<128x64xf32, #tpu.memory_space<vmem>>) dst(%dma_wait3A_113 : memref<128x64xf32, #tpu.memory_space<vmem_shared>>)
      tpu.yield
    }) : () -> ()
    %mul3A_11 = arith.constant 640 : i32
    %mul3A_12 = arith.muli %arg1, %mul3A_11 : i32
    %add3A_13 = arith.constant 128 : i32
    %add3A_14 = arith.addi %mul3A_12, %add3A_13 : i32
    "tpu.region"() ({
      %run_scoped3A = tpu.sem_alloc : memref<!tpu.dma_semaphore, #tpu.memory_space<semaphore_mem>>
      %dma_start3A_106 = arith.constant 0 : i32
      %dma_start3A_107 = tpu.memref_slice %arg11[%add3A_14, %dma_start3A_106] : memref<10240x64xf32, #tpu.memory_space<vmem_shared>> -> memref<128x64xf32, #tpu.memory_space<vmem_shared>>
      %dma_start3A_108 = arith.constant 0 : i32
      %dma_start3A_109 = tpu.memref_slice %arg11[%add3A_14, %dma_start3A_108] : memref<10240x64xf32, #tpu.memory_space<vmem_shared>> -> memref<128x64xf32, #tpu.memory_space<vmem_shared>>
      tpu.enqueue_dma source(%arg8 : memref<128x64xf32, #tpu.memory_space<vmem>>) target(%dma_start3A_109 : memref<128x64xf32, #tpu.memory_space<vmem_shared>>) target_semaphore(%run_scoped3A : memref<!tpu.dma_semaphore, #tpu.memory_space<semaphore_mem>>)
      %dma_wait3A_110 = arith.constant 0 : i32
      %dma_wait3A_111 = tpu.memref_slice %arg11[%add3A_14, %dma_wait3A_110] : memref<10240x64xf32, #tpu.memory_space<vmem_shared>> -> memref<128x64xf32, #tpu.memory_space<vmem_shared>>
      %dma_wait3A_112 = arith.constant 0 : i32
      %dma_wait3A_113 = tpu.memref_slice %arg11[%add3A_14, %dma_wait3A_112] : memref<10240x64xf32, #tpu.memory_space<vmem_shared>> -> memref<128x64xf32, #tpu.memory_space<vmem_shared>>
      tpu.wait_dma2 semaphore(%run_scoped3A : memref<!tpu.dma_semaphore, #tpu.memory_space<semaphore_mem>>) src(%arg8 : memref<128x64xf32, #tpu.memory_space<vmem>>) dst(%dma_wait3A_113 : memref<128x64xf32, #tpu.memory_space<vmem_shared>>)
      tpu.yield
    }) : () -> ()
    %mul3A_15 = arith.constant 640 : i32
    %mul3A_16 = arith.muli %arg1, %mul3A_15 : i32
    %add3A_17 = arith.constant 256 : i32
    %add3A_18 = arith.addi %mul3A_16, %add3A_17 : i32
    "tpu.region"() ({
      %run_scoped3A = tpu.sem_alloc : memref<!tpu.dma_semaphore, #tpu.memory_space<semaphore_mem>>
      %dma_start3A_106 = arith.constant 0 : i32
      %dma_start3A_107 = tpu.memref_slice %arg11[%add3A_18, %dma_start3A_106] : memref<10240x64xf32, #tpu.memory_space<vmem_shared>> -> memref<128x64xf32, #tpu.memory_space<vmem_shared>>
      %dma_start3A_108 = arith.constant 0 : i32
      %dma_start3A_109 = tpu.memref_slice %arg11[%add3A_18, %dma_start3A_108] : memref<10240x64xf32, #tpu.memory_space<vmem_shared>> -> memref<128x64xf32, #tpu.memory_space<vmem_shared>>
      tpu.enqueue_dma source(%arg8 : memref<128x64xf32, #tpu.memory_space<vmem>>) target(%dma_start3A_109 : memref<128x64xf32, #tpu.memory_space<vmem_shared>>) target_semaphore(%run_scoped3A : memref<!tpu.dma_semaphore, #tpu.memory_space<semaphore_mem>>)
      %dma_wait3A_110 = arith.constant 0 : i32
      %dma_wait3A_111 = tpu.memref_slice %arg11[%add3A_18, %dma_wait3A_110] : memref<10240x64xf32, #tpu.memory_space<vmem_shared>> -> memref<128x64xf32, #tpu.memory_space<vmem_shared>>
      %dma_wait3A_112 = arith.constant 0 : i32
      %dma_wait3A_113 = tpu.memref_slice %arg11[%add3A_18, %dma_wait3A_112] : memref<10240x64xf32, #tpu.memory_space<vmem_shared>> -> memref<128x64xf32, #tpu.memory_space<vmem_shared>>
      tpu.wait_dma2 semaphore(%run_scoped3A : memref<!tpu.dma_semaphore, #tpu.memory_space<semaphore_mem>>) src(%arg8 : memref<128x64xf32, #tpu.memory_space<vmem>>) dst(%dma_wait3A_113 : memref<128x64xf32, #tpu.memory_space<vmem_shared>>)
      tpu.yield
    }) : () -> ()
    %mul3A_19 = arith.constant 640 : i32
    %mul3A_20 = arith.muli %arg1, %mul3A_19 : i32
    %add3A_21 = arith.constant 384 : i32
    %add3A_22 = arith.addi %mul3A_20, %add3A_21 : i32
    "tpu.region"() ({
      %run_scoped3A = tpu.sem_alloc : memref<!tpu.dma_semaphore, #tpu.memory_space<semaphore_mem>>
      %dma_start3A_106 = arith.constant 0 : i32
      %dma_start3A_107 = tpu.memref_slice %arg11[%add3A_22, %dma_start3A_106] : memref<10240x64xf32, #tpu.memory_space<vmem_shared>> -> memref<128x64xf32, #tpu.memory_space<vmem_shared>>
      %dma_start3A_108 = arith.constant 0 : i32
      %dma_start3A_109 = tpu.memref_slice %arg11[%add3A_22, %dma_start3A_108] : memref<10240x64xf32, #tpu.memory_space<vmem_shared>> -> memref<128x64xf32, #tpu.memory_space<vmem_shared>>
      tpu.enqueue_dma source(%arg8 : memref<128x64xf32, #tpu.memory_space<vmem>>) target(%dma_start3A_109 : memref<128x64xf32, #tpu.memory_space<vmem_shared>>) target_semaphore(%run_scoped3A : memref<!tpu.dma_semaphore, #tpu.memory_space<semaphore_mem>>)
      %dma_wait3A_110 = arith.constant 0 : i32
      %dma_wait3A_111 = tpu.memref_slice %arg11[%add3A_22, %dma_wait3A_110] : memref<10240x64xf32, #tpu.memory_space<vmem_shared>> -> memref<128x64xf32, #tpu.memory_space<vmem_shared>>
      %dma_wait3A_112 = arith.constant 0 : i32
      %dma_wait3A_113 = tpu.memref_slice %arg11[%add3A_22, %dma_wait3A_112] : memref<10240x64xf32, #tpu.memory_space<vmem_shared>> -> memref<128x64xf32, #tpu.memory_space<vmem_shared>>
      tpu.wait_dma2 semaphore(%run_scoped3A : memref<!tpu.dma_semaphore, #tpu.memory_space<semaphore_mem>>) src(%arg8 : memref<128x64xf32, #tpu.memory_space<vmem>>) dst(%dma_wait3A_113 : memref<128x64xf32, #tpu.memory_space<vmem_shared>>)
      tpu.yield
    }) : () -> ()
    %mul3A_23 = arith.constant 640 : i32
    %mul3A_24 = arith.muli %arg1, %mul3A_23 : i32
    %add3A_25 = arith.constant 512 : i32
    %add3A_26 = arith.addi %mul3A_24, %add3A_25 : i32
    "tpu.region"() ({
      %run_scoped3A = tpu.sem_alloc : memref<!tpu.dma_semaphore, #tpu.memory_space<semaphore_mem>>
      %dma_start3A_106 = arith.constant 0 : i32
      %dma_start3A_107 = tpu.memref_slice %arg11[%add3A_26, %dma_start3A_106] : memref<10240x64xf32, #tpu.memory_space<vmem_shared>> -> memref<128x64xf32, #tpu.memory_space<vmem_shared>>
      %dma_start3A_108 = arith.constant 0 : i32
      %dma_start3A_109 = tpu.memref_slice %arg11[%add3A_26, %dma_start3A_108] : memref<10240x64xf32, #tpu.memory_space<vmem_shared>> -> memref<128x64xf32, #tpu.memory_space<vmem_shared>>
      tpu.enqueue_dma source(%arg8 : memref<128x64xf32, #tpu.memory_space<vmem>>) target(%dma_start3A_109 : memref<128x64xf32, #tpu.memory_space<vmem_shared>>) target_semaphore(%run_scoped3A : memref<!tpu.dma_semaphore, #tpu.memory_space<semaphore_mem>>)
      %dma_wait3A_110 = arith.constant 0 : i32
      %dma_wait3A_111 = tpu.memref_slice %arg11[%add3A_26, %dma_wait3A_110] : memref<10240x64xf32, #tpu.memory_space<vmem_shared>> -> memref<128x64xf32, #tpu.memory_space<vmem_shared>>
      %dma_wait3A_112 = arith.constant 0 : i32
      %dma_wait3A_113 = tpu.memref_slice %arg11[%add3A_26, %dma_wait3A_112] : memref<10240x64xf32, #tpu.memory_space<vmem_shared>> -> memref<128x64xf32, #tpu.memory_space<vmem_shared>>
      tpu.wait_dma2 semaphore(%run_scoped3A : memref<!tpu.dma_semaphore, #tpu.memory_space<semaphore_mem>>) src(%arg8 : memref<128x64xf32, #tpu.memory_space<vmem>>) dst(%dma_wait3A_113 : memref<128x64xf32, #tpu.memory_space<vmem_shared>>)
      tpu.yield
    }) : () -> ()
    %dma_start3A = arith.constant 0 : i32
    %dma_start3A_27 = arith.constant 0 : i32
    %dma_start3A_28 = tpu.memref_slice %arg6[%dma_start3A, %dma_start3A_27] : memref<80x128xi32, #tpu.memory_space<vmem>> -> memref<1x128xi32, #tpu.memory_space<vmem>>
    %dma_start3A_29 = tpu.memref_squeeze %dma_start3A_28 : memref<1x128xi32, #tpu.memory_space<vmem>> -> memref<128xi32, #tpu.memory_space<vmem>>
    %dma_start3A_30 = arith.constant 0 : i32
    %dma_start3A_31 = arith.constant 0 : i32
    %dma_start3A_32 = tpu.memref_slice %arg2[%dma_start3A_30, %dma_start3A_31] : memref<10240x64xf32, #tpu.memory_space<hbm>> -> memref<10240x64xf32, #tpu.memory_space<hbm>>
    tpu.enqueue_indirect_dma source(%dma_start3A_32 : memref<10240x64xf32, #tpu.memory_space<hbm>>) target(%arg8 : memref<128x64xf32, #tpu.memory_space<vmem>>) offsets(%dma_start3A_29 : memref<128xi32, #tpu.memory_space<vmem>>) semaphore(%arg12 : memref<!tpu.dma_semaphore, #tpu.memory_space<semaphore_mem>>)
    %dma_start3A_33 = arith.constant 1 : i32
    %dma_start3A_34 = arith.constant 0 : i32
    %dma_start3A_35 = tpu.memref_slice %arg6[%dma_start3A_33, %dma_start3A_34] : memref<80x128xi32, #tpu.memory_space<vmem>> -> memref<1x128xi32, #tpu.memory_space<vmem>>
    %dma_start3A_36 = tpu.memref_squeeze %dma_start3A_35 : memref<1x128xi32, #tpu.memory_space<vmem>> -> memref<128xi32, #tpu.memory_space<vmem>>
    %dma_start3A_37 = arith.constant 0 : i32
    %dma_start3A_38 = arith.constant 0 : i32
    %dma_start3A_39 = tpu.memref_slice %arg2[%dma_start3A_37, %dma_start3A_38] : memref<10240x64xf32, #tpu.memory_space<hbm>> -> memref<10240x64xf32, #tpu.memory_space<hbm>>
    tpu.enqueue_indirect_dma source(%dma_start3A_39 : memref<10240x64xf32, #tpu.memory_space<hbm>>) target(%arg9 : memref<128x64xf32, #tpu.memory_space<vmem>>) offsets(%dma_start3A_36 : memref<128xi32, #tpu.memory_space<vmem>>) semaphore(%arg12 : memref<!tpu.dma_semaphore, #tpu.memory_space<semaphore_mem>>)
    %barrier3A = arith.constant 0 : index
    tpu.barrier barrier_id(%barrier3A)
    %dma_wait3A = arith.constant 0 : i32
    %dma_wait3A_40 = arith.constant 0 : i32
    %dma_wait3A_41 = tpu.memref_slice %arg6[%dma_wait3A, %dma_wait3A_40] : memref<80x128xi32, #tpu.memory_space<vmem>> -> memref<1x128xi32, #tpu.memory_space<vmem>>
    %dma_wait3A_42 = tpu.memref_squeeze %dma_wait3A_41 : memref<1x128xi32, #tpu.memory_space<vmem>> -> memref<128xi32, #tpu.memory_space<vmem>>
    %dma_wait3A_43 = arith.constant 0 : i32
    %dma_wait3A_44 = arith.constant 0 : i32
    %dma_wait3A_45 = tpu.memref_slice %arg2[%dma_wait3A_43, %dma_wait3A_44] : memref<10240x64xf32, #tpu.memory_space<hbm>> -> memref<10240x64xf32, #tpu.memory_space<hbm>>
    tpu.wait_indirect_dma semaphore(%arg12 : memref<!tpu.dma_semaphore, #tpu.memory_space<semaphore_mem>>) src(%dma_wait3A_45 : memref<10240x64xf32, #tpu.memory_space<hbm>>) dst(%arg8 : memref<128x64xf32, #tpu.memory_space<vmem>>)
    %dma_start3A_46 = arith.constant 0 : i32
    %dma_start3A_47 = arith.constant 0 : i32
    %dma_start3A_48 = tpu.memref_slice %arg7[%dma_start3A_46, %dma_start3A_47] : memref<80x128xi32, #tpu.memory_space<vmem>> -> memref<1x128xi32, #tpu.memory_space<vmem>>
    %dma_start3A_49 = tpu.memref_squeeze %dma_start3A_48 : memref<1x128xi32, #tpu.memory_space<vmem>> -> memref<128xi32, #tpu.memory_space<vmem>>
    %dma_start3A_50 = arith.constant 0 : i32
    %dma_start3A_51 = arith.constant 0 : i32
    %dma_start3A_52 = tpu.memref_slice %arg11[%dma_start3A_50, %dma_start3A_51] : memref<10240x64xf32, #tpu.memory_space<vmem_shared>> -> memref<10240x64xf32, #tpu.memory_space<vmem_shared>>
    tpu.enqueue_indirect_dma source(%arg8 : memref<128x64xf32, #tpu.memory_space<vmem>>) target(%dma_start3A_52 : memref<10240x64xf32, #tpu.memory_space<vmem_shared>>) offsets(%dma_start3A_49 : memref<128xi32, #tpu.memory_space<vmem>>) semaphore(%arg13 : memref<!tpu.dma_semaphore, #tpu.memory_space<semaphore_mem>>) {add = true}
    %dma_start3A_53 = arith.constant 2 : i32
    %dma_start3A_54 = arith.constant 0 : i32
    %dma_start3A_55 = tpu.memref_slice %arg6[%dma_start3A_53, %dma_start3A_54] : memref<80x128xi32, #tpu.memory_space<vmem>> -> memref<1x128xi32, #tpu.memory_space<vmem>>
    %dma_start3A_56 = tpu.memref_squeeze %dma_start3A_55 : memref<1x128xi32, #tpu.memory_space<vmem>> -> memref<128xi32, #tpu.memory_space<vmem>>
    %dma_start3A_57 = arith.constant 0 : i32
    %dma_start3A_58 = arith.constant 0 : i32
    %dma_start3A_59 = tpu.memref_slice %arg2[%dma_start3A_57, %dma_start3A_58] : memref<10240x64xf32, #tpu.memory_space<hbm>> -> memref<10240x64xf32, #tpu.memory_space<hbm>>
    tpu.enqueue_indirect_dma source(%dma_start3A_59 : memref<10240x64xf32, #tpu.memory_space<hbm>>) target(%arg10 : memref<128x64xf32, #tpu.memory_space<vmem>>) offsets(%dma_start3A_56 : memref<128xi32, #tpu.memory_space<vmem>>) semaphore(%arg12 : memref<!tpu.dma_semaphore, #tpu.memory_space<semaphore_mem>>)
    %dma_wait3A_60 = arith.constant 1 : i32
    %dma_wait3A_61 = arith.constant 0 : i32
    %dma_wait3A_62 = tpu.memref_slice %arg6[%dma_wait3A_60, %dma_wait3A_61] : memref<80x128xi32, #tpu.memory_space<vmem>> -> memref<1x128xi32, #tpu.memory_space<vmem>>
    %dma_wait3A_63 = tpu.memref_squeeze %dma_wait3A_62 : memref<1x128xi32, #tpu.memory_space<vmem>> -> memref<128xi32, #tpu.memory_space<vmem>>
    %dma_wait3A_64 = arith.constant 0 : i32
    %dma_wait3A_65 = arith.constant 0 : i32
    %dma_wait3A_66 = tpu.memref_slice %arg2[%dma_wait3A_64, %dma_wait3A_65] : memref<10240x64xf32, #tpu.memory_space<hbm>> -> memref<10240x64xf32, #tpu.memory_space<hbm>>
    tpu.wait_indirect_dma semaphore(%arg12 : memref<!tpu.dma_semaphore, #tpu.memory_space<semaphore_mem>>) src(%dma_wait3A_66 : memref<10240x64xf32, #tpu.memory_space<hbm>>) dst(%arg9 : memref<128x64xf32, #tpu.memory_space<vmem>>)
    %dma_start3A_67 = arith.constant 1 : i32
    %dma_start3A_68 = arith.constant 0 : i32
    %dma_start3A_69 = tpu.memref_slice %arg7[%dma_start3A_67, %dma_start3A_68] : memref<80x128xi32, #tpu.memory_space<vmem>> -> memref<1x128xi32, #tpu.memory_space<vmem>>
    %dma_start3A_70 = tpu.memref_squeeze %dma_start3A_69 : memref<1x128xi32, #tpu.memory_space<vmem>> -> memref<128xi32, #tpu.memory_space<vmem>>
    %dma_start3A_71 = arith.constant 0 : i32
    %dma_start3A_72 = arith.constant 0 : i32
    %dma_start3A_73 = tpu.memref_slice %arg11[%dma_start3A_71, %dma_start3A_72] : memref<10240x64xf32, #tpu.memory_space<vmem_shared>> -> memref<10240x64xf32, #tpu.memory_space<vmem_shared>>
    tpu.enqueue_indirect_dma source(%arg9 : memref<128x64xf32, #tpu.memory_space<vmem>>) target(%dma_start3A_73 : memref<10240x64xf32, #tpu.memory_space<vmem_shared>>) offsets(%dma_start3A_70 : memref<128xi32, #tpu.memory_space<vmem>>) semaphore(%arg13 : memref<!tpu.dma_semaphore, #tpu.memory_space<semaphore_mem>>) {add = true}
    %dma_wait3A_74 = arith.constant 0 : i32
    %dma_wait3A_75 = arith.constant 0 : i32
    %dma_wait3A_76 = tpu.memref_slice %arg7[%dma_wait3A_74, %dma_wait3A_75] : memref<80x128xi32, #tpu.memory_space<vmem>> -> memref<1x128xi32, #tpu.memory_space<vmem>>
    %dma_wait3A_77 = tpu.memref_squeeze %dma_wait3A_76 : memref<1x128xi32, #tpu.memory_space<vmem>> -> memref<128xi32, #tpu.memory_space<vmem>>
    %dma_wait3A_78 = arith.constant 0 : i32
    %dma_wait3A_79 = arith.constant 0 : i32
    %dma_wait3A_80 = tpu.memref_slice %arg11[%dma_wait3A_78, %dma_wait3A_79] : memref<10240x64xf32, #tpu.memory_space<vmem_shared>> -> memref<10240x64xf32, #tpu.memory_space<vmem_shared>>
    tpu.wait_indirect_dma semaphore(%arg13 : memref<!tpu.dma_semaphore, #tpu.memory_space<semaphore_mem>>) src(%arg8 : memref<128x64xf32, #tpu.memory_space<vmem>>) dst(%dma_wait3A_80 : memref<10240x64xf32, #tpu.memory_space<vmem_shared>>)
    %dma_start3A_81 = arith.constant 3 : i32
    %dma_start3A_82 = arith.constant 0 : i32
    %dma_start3A_83 = tpu.memref_slice %arg6[%dma_start3A_81, %dma_start3A_82] : memref<80x128xi32, #tpu.memory_space<vmem>> -> memref<1x128xi32, #tpu.memory_space<vmem>>
    %dma_start3A_84 = tpu.memref_squeeze %dma_start3A_83 : memref<1x128xi32, #tpu.memory_space<vmem>> -> memref<128xi32, #tpu.memory_space<vmem>>
    %dma_start3A_85 = arith.constant 0 : i32
    %dma_start3A_86 = arith.constant 0 : i32
    %dma_start3A_87 = tpu.memref_slice %arg2[%dma_start3A_85, %dma_start3A_86] : memref<10240x64xf32, #tpu.memory_space<hbm>> -> memref<10240x64xf32, #tpu.memory_space<hbm>>
    tpu.enqueue_indirect_dma source(%dma_start3A_87 : memref<10240x64xf32, #tpu.memory_space<hbm>>) target(%arg8 : memref<128x64xf32, #tpu.memory_space<vmem>>) offsets(%dma_start3A_84 : memref<128xi32, #tpu.memory_space<vmem>>) semaphore(%arg12 : memref<!tpu.dma_semaphore, #tpu.memory_space<semaphore_mem>>)
    %scan3A_88 = arith.constant 0 : i32
    %scan3A_89 = arith.constant 0 : i32
    %scan3A_90 = arith.constant 26 : i32
    %scan3A_91 = arith.addi %scan3A_89, %scan3A_90 : i32
    %scan3A_92 = arith.constant 1 : i32
    scf.for %scan3A_106 = %scan3A_89 to %scan3A_91 step %scan3A_92  : i32 {
      %mul3A_107 = arith.constant 3 : i32
      %mul3A_108 = arith.muli %mul3A_107, %scan3A_106 : i32
      %add3A_109 = arith.constant 2 : i32
      %add3A_110 = arith.addi %add3A_109, %mul3A_108 : i32
      %add3A_111 = arith.constant 0 : i32
      %add3A_112 = arith.addi %add3A_110, %add3A_111 : i32
      %dma_wait3A_113 = arith.constant 0 : i32
      %dma_wait3A_114 = tpu.memref_slice %arg6[%add3A_112, %dma_wait3A_113] : memref<80x128xi32, #tpu.memory_space<vmem>> -> memref<1x128xi32, #tpu.memory_space<vmem>>
      %dma_wait3A_115 = tpu.memref_squeeze %dma_wait3A_114 : memref<1x128xi32, #tpu.memory_space<vmem>> -> memref<128xi32, #tpu.memory_space<vmem>>
      %dma_wait3A_116 = arith.constant 0 : i32
      %dma_wait3A_117 = arith.constant 0 : i32
      %dma_wait3A_118 = tpu.memref_slice %arg2[%dma_wait3A_116, %dma_wait3A_117] : memref<10240x64xf32, #tpu.memory_space<hbm>> -> memref<10240x64xf32, #tpu.memory_space<hbm>>
      tpu.wait_indirect_dma semaphore(%arg12 : memref<!tpu.dma_semaphore, #tpu.memory_space<semaphore_mem>>) src(%dma_wait3A_118 : memref<10240x64xf32, #tpu.memory_space<hbm>>) dst(%arg10 : memref<128x64xf32, #tpu.memory_space<vmem>>)
      %dma_start3A_119 = arith.constant 0 : i32
      %dma_start3A_120 = tpu.memref_slice %arg7[%add3A_112, %dma_start3A_119] : memref<80x128xi32, #tpu.memory_space<vmem>> -> memref<1x128xi32, #tpu.memory_space<vmem>>
      %dma_start3A_121 = tpu.memref_squeeze %dma_start3A_120 : memref<1x128xi32, #tpu.memory_space<vmem>> -> memref<128xi32, #tpu.memory_space<vmem>>
      %dma_start3A_122 = arith.constant 0 : i32
      %dma_start3A_123 = arith.constant 0 : i32
      %dma_start3A_124 = tpu.memref_slice %arg11[%dma_start3A_122, %dma_start3A_123] : memref<10240x64xf32, #tpu.memory_space<vmem_shared>> -> memref<10240x64xf32, #tpu.memory_space<vmem_shared>>
      tpu.enqueue_indirect_dma source(%arg10 : memref<128x64xf32, #tpu.memory_space<vmem>>) target(%dma_start3A_124 : memref<10240x64xf32, #tpu.memory_space<vmem_shared>>) offsets(%dma_start3A_121 : memref<128xi32, #tpu.memory_space<vmem>>) semaphore(%arg13 : memref<!tpu.dma_semaphore, #tpu.memory_space<semaphore_mem>>) {add = true}
      %sub3A = arith.constant 1 : i32
      %sub3A_125 = arith.subi %add3A_112, %sub3A : i32
      %dma_wait3A_126 = arith.constant 0 : i32
      %dma_wait3A_127 = tpu.memref_slice %arg7[%sub3A_125, %dma_wait3A_126] : memref<80x128xi32, #tpu.memory_space<vmem>> -> memref<1x128xi32, #tpu.memory_space<vmem>>
      %dma_wait3A_128 = tpu.memref_squeeze %dma_wait3A_127 : memref<1x128xi32, #tpu.memory_space<vmem>> -> memref<128xi32, #tpu.memory_space<vmem>>
      %dma_wait3A_129 = arith.constant 0 : i32
      %dma_wait3A_130 = arith.constant 0 : i32
      %dma_wait3A_131 = tpu.memref_slice %arg11[%dma_wait3A_129, %dma_wait3A_130] : memref<10240x64xf32, #tpu.memory_space<vmem_shared>> -> memref<10240x64xf32, #tpu.memory_space<vmem_shared>>
      tpu.wait_indirect_dma semaphore(%arg13 : memref<!tpu.dma_semaphore, #tpu.memory_space<semaphore_mem>>) src(%arg9 : memref<128x64xf32, #tpu.memory_space<vmem>>) dst(%dma_wait3A_131 : memref<10240x64xf32, #tpu.memory_space<vmem_shared>>)
      %add3A_132 = arith.constant 2 : i32
      %add3A_133 = arith.addi %add3A_112, %add3A_132 : i32
      %lt3A = arith.constant 80 : i32
      %lt3A_134 = arith.cmpi slt, %add3A_133, %lt3A : i32
      %convert_element_type3A = arith.extui %lt3A_134 : i1 to i32
      %cond3A = arith.constant 0 : i32
      %cond3A_135 = arith.cmpi ne, %convert_element_type3A, %cond3A : i32
      scf.if %cond3A_135 {
        %add3A_194 = arith.constant 2 : i32
        %add3A_195 = arith.addi %add3A_112, %add3A_194 : i32
        %dma_start3A_196 = arith.constant 0 : i32
        %dma_start3A_197 = tpu.memref_slice %arg6[%add3A_195, %dma_start3A_196] : memref<80x128xi32, #tpu.memory_space<vmem>> -> memref<1x128xi32, #tpu.memory_space<vmem>>
        %dma_start3A_198 = tpu.memref_squeeze %dma_start3A_197 : memref<1x128xi32, #tpu.memory_space<vmem>> -> memref<128xi32, #tpu.memory_space<vmem>>
        %dma_start3A_199 = arith.constant 0 : i32
        %dma_start3A_200 = arith.constant 0 : i32
        %dma_start3A_201 = tpu.memref_slice %arg2[%dma_start3A_199, %dma_start3A_200] : memref<10240x64xf32, #tpu.memory_space<hbm>> -> memref<10240x64xf32, #tpu.memory_space<hbm>>
        tpu.enqueue_indirect_dma source(%dma_start3A_201 : memref<10240x64xf32, #tpu.memory_space<hbm>>) target(%arg9 : memref<128x64xf32, #tpu.memory_space<vmem>>) offsets(%dma_start3A_198 : memref<128xi32, #tpu.memory_space<vmem>>) semaphore(%arg12 : memref<!tpu.dma_semaphore, #tpu.memory_space<semaphore_mem>>)
      } else {
      }
      %add3A_136 = arith.constant 1 : i32
      %add3A_137 = arith.addi %add3A_110, %add3A_136 : i32
      %dma_wait3A_138 = arith.constant 0 : i32
      %dma_wait3A_139 = tpu.memref_slice %arg6[%add3A_137, %dma_wait3A_138] : memref<80x128xi32, #tpu.memory_space<vmem>> -> memref<1x128xi32, #tpu.memory_space<vmem>>
      %dma_wait3A_140 = tpu.memref_squeeze %dma_wait3A_139 : memref<1x128xi32, #tpu.memory_space<vmem>> -> memref<128xi32, #tpu.memory_space<vmem>>
      %dma_wait3A_141 = arith.constant 0 : i32
      %dma_wait3A_142 = arith.constant 0 : i32
      %dma_wait3A_143 = tpu.memref_slice %arg2[%dma_wait3A_141, %dma_wait3A_142] : memref<10240x64xf32, #tpu.memory_space<hbm>> -> memref<10240x64xf32, #tpu.memory_space<hbm>>
      tpu.wait_indirect_dma semaphore(%arg12 : memref<!tpu.dma_semaphore, #tpu.memory_space<semaphore_mem>>) src(%dma_wait3A_143 : memref<10240x64xf32, #tpu.memory_space<hbm>>) dst(%arg8 : memref<128x64xf32, #tpu.memory_space<vmem>>)
      %dma_start3A_144 = arith.constant 0 : i32
      %dma_start3A_145 = tpu.memref_slice %arg7[%add3A_137, %dma_start3A_144] : memref<80x128xi32, #tpu.memory_space<vmem>> -> memref<1x128xi32, #tpu.memory_space<vmem>>
      %dma_start3A_146 = tpu.memref_squeeze %dma_start3A_145 : memref<1x128xi32, #tpu.memory_space<vmem>> -> memref<128xi32, #tpu.memory_space<vmem>>
      %dma_start3A_147 = arith.constant 0 : i32
      %dma_start3A_148 = arith.constant 0 : i32
      %dma_start3A_149 = tpu.memref_slice %arg11[%dma_start3A_147, %dma_start3A_148] : memref<10240x64xf32, #tpu.memory_space<vmem_shared>> -> memref<10240x64xf32, #tpu.memory_space<vmem_shared>>
      tpu.enqueue_indirect_dma source(%arg8 : memref<128x64xf32, #tpu.memory_space<vmem>>) target(%dma_start3A_149 : memref<10240x64xf32, #tpu.memory_space<vmem_shared>>) offsets(%dma_start3A_146 : memref<128xi32, #tpu.memory_space<vmem>>) semaphore(%arg13 : memref<!tpu.dma_semaphore, #tpu.memory_space<semaphore_mem>>) {add = true}
      %sub3A_150 = arith.constant 1 : i32
      %sub3A_151 = arith.subi %add3A_137, %sub3A_150 : i32
      %dma_wait3A_152 = arith.constant 0 : i32
      %dma_wait3A_153 = tpu.memref_slice %arg7[%sub3A_151, %dma_wait3A_152] : memref<80x128xi32, #tpu.memory_space<vmem>> -> memref<1x128xi32, #tpu.memory_space<vmem>>
      %dma_wait3A_154 = tpu.memref_squeeze %dma_wait3A_153 : memref<1x128xi32, #tpu.memory_space<vmem>> -> memref<128xi32, #tpu.memory_space<vmem>>
      %dma_wait3A_155 = arith.constant 0 : i32
      %dma_wait3A_156 = arith.constant 0 : i32
      %dma_wait3A_157 = tpu.memref_slice %arg11[%dma_wait3A_155, %dma_wait3A_156] : memref<10240x64xf32, #tpu.memory_space<vmem_shared>> -> memref<10240x64xf32, #tpu.memory_space<vmem_shared>>
      tpu.wait_indirect_dma semaphore(%arg13 : memref<!tpu.dma_semaphore, #tpu.memory_space<semaphore_mem>>) src(%arg10 : memref<128x64xf32, #tpu.memory_space<vmem>>) dst(%dma_wait3A_157 : memref<10240x64xf32, #tpu.memory_space<vmem_shared>>)
      %add3A_158 = arith.constant 2 : i32
      %add3A_159 = arith.addi %add3A_137, %add3A_158 : i32
      %lt3A_160 = arith.constant 80 : i32
      %lt3A_161 = arith.cmpi slt, %add3A_159, %lt3A_160 : i32
      %convert_element_type3A_162 = arith.extui %lt3A_161 : i1 to i32
      %cond3A_163 = arith.constant 0 : i32
      %cond3A_164 = arith.cmpi ne, %convert_element_type3A_162, %cond3A_163 : i32
      scf.if %cond3A_164 {
        %add3A_194 = arith.constant 2 : i32
        %add3A_195 = arith.addi %add3A_137, %add3A_194 : i32
        %dma_start3A_196 = arith.constant 0 : i32
        %dma_start3A_197 = tpu.memref_slice %arg6[%add3A_195, %dma_start3A_196] : memref<80x128xi32, #tpu.memory_space<vmem>> -> memref<1x128xi32, #tpu.memory_space<vmem>>
        %dma_start3A_198 = tpu.memref_squeeze %dma_start3A_197 : memref<1x128xi32, #tpu.memory_space<vmem>> -> memref<128xi32, #tpu.memory_space<vmem>>
        %dma_start3A_199 = arith.constant 0 : i32
        %dma_start3A_200 = arith.constant 0 : i32
        %dma_start3A_201 = tpu.memref_slice %arg2[%dma_start3A_199, %dma_start3A_200] : memref<10240x64xf32, #tpu.memory_space<hbm>> -> memref<10240x64xf32, #tpu.memory_space<hbm>>
        tpu.enqueue_indirect_dma source(%dma_start3A_201 : memref<10240x64xf32, #tpu.memory_space<hbm>>) target(%arg10 : memref<128x64xf32, #tpu.memory_space<vmem>>) offsets(%dma_start3A_198 : memref<128xi32, #tpu.memory_space<vmem>>) semaphore(%arg12 : memref<!tpu.dma_semaphore, #tpu.memory_space<semaphore_mem>>)
      } else {
      }
      %add3A_165 = arith.constant 2 : i32
      %add3A_166 = arith.addi %add3A_110, %add3A_165 : i32
      %dma_wait3A_167 = arith.constant 0 : i32
      %dma_wait3A_168 = tpu.memref_slice %arg6[%add3A_166, %dma_wait3A_167] : memref<80x128xi32, #tpu.memory_space<vmem>> -> memref<1x128xi32, #tpu.memory_space<vmem>>
      %dma_wait3A_169 = tpu.memref_squeeze %dma_wait3A_168 : memref<1x128xi32, #tpu.memory_space<vmem>> -> memref<128xi32, #tpu.memory_space<vmem>>
      %dma_wait3A_170 = arith.constant 0 : i32
      %dma_wait3A_171 = arith.constant 0 : i32
      %dma_wait3A_172 = tpu.memref_slice %arg2[%dma_wait3A_170, %dma_wait3A_171] : memref<10240x64xf32, #tpu.memory_space<hbm>> -> memref<10240x64xf32, #tpu.memory_space<hbm>>
      tpu.wait_indirect_dma semaphore(%arg12 : memref<!tpu.dma_semaphore, #tpu.memory_space<semaphore_mem>>) src(%dma_wait3A_172 : memref<10240x64xf32, #tpu.memory_space<hbm>>) dst(%arg9 : memref<128x64xf32, #tpu.memory_space<vmem>>)
      %dma_start3A_173 = arith.constant 0 : i32
      %dma_start3A_174 = tpu.memref_slice %arg7[%add3A_166, %dma_start3A_173] : memref<80x128xi32, #tpu.memory_space<vmem>> -> memref<1x128xi32, #tpu.memory_space<vmem>>
      %dma_start3A_175 = tpu.memref_squeeze %dma_start3A_174 : memref<1x128xi32, #tpu.memory_space<vmem>> -> memref<128xi32, #tpu.memory_space<vmem>>
      %dma_start3A_176 = arith.constant 0 : i32
      %dma_start3A_177 = arith.constant 0 : i32
      %dma_start3A_178 = tpu.memref_slice %arg11[%dma_start3A_176, %dma_start3A_177] : memref<10240x64xf32, #tpu.memory_space<vmem_shared>> -> memref<10240x64xf32, #tpu.memory_space<vmem_shared>>
      tpu.enqueue_indirect_dma source(%arg9 : memref<128x64xf32, #tpu.memory_space<vmem>>) target(%dma_start3A_178 : memref<10240x64xf32, #tpu.memory_space<vmem_shared>>) offsets(%dma_start3A_175 : memref<128xi32, #tpu.memory_space<vmem>>) semaphore(%arg13 : memref<!tpu.dma_semaphore, #tpu.memory_space<semaphore_mem>>) {add = true}
      %sub3A_179 = arith.constant 1 : i32
      %sub3A_180 = arith.subi %add3A_166, %sub3A_179 : i32
      %dma_wait3A_181 = arith.constant 0 : i32
      %dma_wait3A_182 = tpu.memref_slice %arg7[%sub3A_180, %dma_wait3A_181] : memref<80x128xi32, #tpu.memory_space<vmem>> -> memref<1x128xi32, #tpu.memory_space<vmem>>
      %dma_wait3A_183 = tpu.memref_squeeze %dma_wait3A_182 : memref<1x128xi32, #tpu.memory_space<vmem>> -> memref<128xi32, #tpu.memory_space<vmem>>
      %dma_wait3A_184 = arith.constant 0 : i32
      %dma_wait3A_185 = arith.constant 0 : i32
      %dma_wait3A_186 = tpu.memref_slice %arg11[%dma_wait3A_184, %dma_wait3A_185] : memref<10240x64xf32, #tpu.memory_space<vmem_shared>> -> memref<10240x64xf32, #tpu.memory_space<vmem_shared>>
      tpu.wait_indirect_dma semaphore(%arg13 : memref<!tpu.dma_semaphore, #tpu.memory_space<semaphore_mem>>) src(%arg8 : memref<128x64xf32, #tpu.memory_space<vmem>>) dst(%dma_wait3A_186 : memref<10240x64xf32, #tpu.memory_space<vmem_shared>>)
      %add3A_187 = arith.constant 2 : i32
      %add3A_188 = arith.addi %add3A_166, %add3A_187 : i32
      %lt3A_189 = arith.constant 80 : i32
      %lt3A_190 = arith.cmpi slt, %add3A_188, %lt3A_189 : i32
      %convert_element_type3A_191 = arith.extui %lt3A_190 : i1 to i32
      %cond3A_192 = arith.constant 0 : i32
      %cond3A_193 = arith.cmpi ne, %convert_element_type3A_191, %cond3A_192 : i32
      scf.if %cond3A_193 {
        %add3A_194 = arith.constant 2 : i32
        %add3A_195 = arith.addi %add3A_166, %add3A_194 : i32
        %dma_start3A_196 = arith.constant 0 : i32
        %dma_start3A_197 = tpu.memref_slice %arg6[%add3A_195, %dma_start3A_196] : memref<80x128xi32, #tpu.memory_space<vmem>> -> memref<1x128xi32, #tpu.memory_space<vmem>>
        %dma_start3A_198 = tpu.memref_squeeze %dma_start3A_197 : memref<1x128xi32, #tpu.memory_space<vmem>> -> memref<128xi32, #tpu.memory_space<vmem>>
        %dma_start3A_199 = arith.constant 0 : i32
        %dma_start3A_200 = arith.constant 0 : i32
        %dma_start3A_201 = tpu.memref_slice %arg2[%dma_start3A_199, %dma_start3A_200] : memref<10240x64xf32, #tpu.memory_space<hbm>> -> memref<10240x64xf32, #tpu.memory_space<hbm>>
        tpu.enqueue_indirect_dma source(%dma_start3A_201 : memref<10240x64xf32, #tpu.memory_space<hbm>>) target(%arg8 : memref<128x64xf32, #tpu.memory_space<vmem>>) offsets(%dma_start3A_198 : memref<128xi32, #tpu.memory_space<vmem>>) semaphore(%arg12 : memref<!tpu.dma_semaphore, #tpu.memory_space<semaphore_mem>>)
      } else {
      }
    }
    %scan3A_93 = arith.constant 26 : i32
    %dma_wait3A_94 = arith.constant 79 : i32
    %dma_wait3A_95 = arith.constant 0 : i32
    %dma_wait3A_96 = tpu.memref_slice %arg7[%dma_wait3A_94, %dma_wait3A_95] : memref<80x128xi32, #tpu.memory_space<vmem>> -> memref<1x128xi32, #tpu.memory_space<vmem>>
    %dma_wait3A_97 = tpu.memref_squeeze %dma_wait3A_96 : memref<1x128xi32, #tpu.memory_space<vmem>> -> memref<128xi32, #tpu.memory_space<vmem>>
    %dma_wait3A_98 = arith.constant 0 : i32
    %dma_wait3A_99 = arith.constant 0 : i32
    %dma_wait3A_100 = tpu.memref_slice %arg11[%dma_wait3A_98, %dma_wait3A_99] : memref<10240x64xf32, #tpu.memory_space<vmem_shared>> -> memref<10240x64xf32, #tpu.memory_space<vmem_shared>>
    tpu.wait_indirect_dma semaphore(%arg13 : memref<!tpu.dma_semaphore, #tpu.memory_space<semaphore_mem>>) src(%arg9 : memref<128x64xf32, #tpu.memory_space<vmem>>) dst(%dma_wait3A_100 : memref<10240x64xf32, #tpu.memory_space<vmem_shared>>)
    %barrier3A_101 = arith.constant 0 : index
    tpu.barrier barrier_id(%barrier3A_101)
    %mul3A_102 = arith.constant 640 : i32
    %mul3A_103 = arith.muli %arg1, %mul3A_102 : i32
    %mul3A_104 = arith.constant 640 : i32
    %mul3A_105 = arith.muli %arg1, %mul3A_104 : i32
    "tpu.region"() ({
      %run_scoped3A = tpu.sem_alloc : memref<!tpu.dma_semaphore, #tpu.memory_space<semaphore_mem>>
      %dma_start3A_106 = arith.constant 0 : i32
      %dma_start3A_107 = tpu.memref_slice %arg5[%arg0, %mul3A_105, %dma_start3A_106] : memref<2x10240x64xf32, #tpu.memory_space<hbm>> -> memref<1x640x64xf32, #tpu.memory_space<hbm>>
      %dma_start3A_108 = tpu.memref_squeeze %dma_start3A_107 : memref<1x640x64xf32, #tpu.memory_space<hbm>> -> memref<640x64xf32, #tpu.memory_space<hbm>>
      %dma_start3A_109 = arith.constant 0 : i32
      %dma_start3A_110 = tpu.memref_slice %arg11[%mul3A_103, %dma_start3A_109] : memref<10240x64xf32, #tpu.memory_space<vmem_shared>> -> memref<640x64xf32, #tpu.memory_space<vmem_shared>>
      tpu.enqueue_dma source(%dma_start3A_110 : memref<640x64xf32, #tpu.memory_space<vmem_shared>>) target(%dma_start3A_108 : memref<640x64xf32, #tpu.memory_space<hbm>>) target_semaphore(%run_scoped3A : memref<!tpu.dma_semaphore, #tpu.memory_space<semaphore_mem>>)
      %dma_wait3A_111 = arith.constant 0 : i32
      %dma_wait3A_112 = tpu.memref_slice %arg5[%arg0, %mul3A_105, %dma_wait3A_111] : memref<2x10240x64xf32, #tpu.memory_space<hbm>> -> memref<1x640x64xf32, #tpu.memory_space<hbm>>
      %dma_wait3A_113 = tpu.memref_squeeze %dma_wait3A_112 : memref<1x640x64xf32, #tpu.memory_space<hbm>> -> memref<640x64xf32, #tpu.memory_space<hbm>>
      %dma_wait3A_114 = arith.constant 0 : i32
      %dma_wait3A_115 = tpu.memref_slice %arg11[%mul3A_103, %dma_wait3A_114] : memref<10240x64xf32, #tpu.memory_space<vmem_shared>> -> memref<640x64xf32, #tpu.memory_space<vmem_shared>>
      tpu.wait_dma2 semaphore(%run_scoped3A : memref<!tpu.dma_semaphore, #tpu.memory_space<semaphore_mem>>) src(%dma_wait3A_115 : memref<640x64xf32, #tpu.memory_space<vmem_shared>>) dst(%dma_wait3A_113 : memref<640x64xf32, #tpu.memory_space<hbm>>)
      tpu.yield
    }) : () -> ()
    return
  }
}

#map = affine_map<(d0, d1) -> (0)>
#map1 = affine_map<(d0, d1) -> (0, 0)>
module attributes {stable_mosaic.version = 14 : i64} {
  func.func @_sc_prop1(%arg0: i32, %arg1: i32, %arg2: memref<10240xf32, #tpu.memory_space<hbm>>, %arg3: memref<32x10000xi32, #tpu.memory_space<hbm>>, %arg4: memref<32x10000xi32, #tpu.memory_space<hbm>>, %arg5: memref<32x10240xf32, #tpu.memory_space<hbm>>, %arg6: memref<10240xf32, #tpu.memory_space<vmem>>, %arg7: memref<10000xi32, #tpu.memory_space<vmem>>, %arg8: memref<10000xi32, #tpu.memory_space<vmem>>, %arg9: memref<10240xf32, #tpu.memory_space<vmem>>) attributes {dimension_semantics = [#tpu.dimension_semantics<core_parallel>, #tpu.dimension_semantics<subcore_parallel>], iteration_bounds = array<i64: 2, 16>, scalar_prefetch = 0 : i64, scratch_operands = 4 : i64, tpu.core_type = #tpu.core_type<sc_vector_subcore>, window_params = [{transform_indices = #map}, {transform_indices = #map1}, {transform_indices = #map1}, {transform_indices = #map1}]} {
    %mul3A = arith.constant 16 : i32
    %mul3A_0 = arith.muli %arg0, %mul3A : i32
    %add3A = arith.addi %mul3A_0, %arg1 : i32
    "tpu.region"() ({
      %run_scoped3A = tpu.sem_alloc : memref<!tpu.dma_semaphore, #tpu.memory_space<semaphore_mem>>
      tpu.enqueue_dma source(%arg2 : memref<10240xf32, #tpu.memory_space<hbm>>) target(%arg6 : memref<10240xf32, #tpu.memory_space<vmem>>) target_semaphore(%run_scoped3A : memref<!tpu.dma_semaphore, #tpu.memory_space<semaphore_mem>>)
      tpu.wait_dma2 semaphore(%run_scoped3A : memref<!tpu.dma_semaphore, #tpu.memory_space<semaphore_mem>>) src(%arg2 : memref<10240xf32, #tpu.memory_space<hbm>>) dst(%arg6 : memref<10240xf32, #tpu.memory_space<vmem>>)
      tpu.yield
    }) : () -> ()
    "tpu.region"() ({
      %run_scoped3A = tpu.sem_alloc : memref<!tpu.dma_semaphore, #tpu.memory_space<semaphore_mem>>
      %dma_start3A = arith.constant 0 : i32
      %dma_start3A_13 = tpu.memref_slice %arg3[%add3A, %dma_start3A] : memref<32x10000xi32, #tpu.memory_space<hbm>> -> memref<1x10000xi32, #tpu.memory_space<hbm>>
      %dma_start3A_14 = tpu.memref_squeeze %dma_start3A_13 : memref<1x10000xi32, #tpu.memory_space<hbm>> -> memref<10000xi32, #tpu.memory_space<hbm>>
      %dma_start3A_15 = arith.constant 0 : i32
      %dma_start3A_16 = tpu.memref_slice %arg3[%add3A, %dma_start3A_15] : memref<32x10000xi32, #tpu.memory_space<hbm>> -> memref<1x10000xi32, #tpu.memory_space<hbm>>
      %dma_start3A_17 = tpu.memref_squeeze %dma_start3A_16 : memref<1x10000xi32, #tpu.memory_space<hbm>> -> memref<10000xi32, #tpu.memory_space<hbm>>
      tpu.enqueue_dma source(%dma_start3A_17 : memref<10000xi32, #tpu.memory_space<hbm>>) target(%arg7 : memref<10000xi32, #tpu.memory_space<vmem>>) target_semaphore(%run_scoped3A : memref<!tpu.dma_semaphore, #tpu.memory_space<semaphore_mem>>)
      %dma_wait3A = arith.constant 0 : i32
      %dma_wait3A_18 = tpu.memref_slice %arg3[%add3A, %dma_wait3A] : memref<32x10000xi32, #tpu.memory_space<hbm>> -> memref<1x10000xi32, #tpu.memory_space<hbm>>
      %dma_wait3A_19 = tpu.memref_squeeze %dma_wait3A_18 : memref<1x10000xi32, #tpu.memory_space<hbm>> -> memref<10000xi32, #tpu.memory_space<hbm>>
      %dma_wait3A_20 = arith.constant 0 : i32
      %dma_wait3A_21 = tpu.memref_slice %arg3[%add3A, %dma_wait3A_20] : memref<32x10000xi32, #tpu.memory_space<hbm>> -> memref<1x10000xi32, #tpu.memory_space<hbm>>
      %dma_wait3A_22 = tpu.memref_squeeze %dma_wait3A_21 : memref<1x10000xi32, #tpu.memory_space<hbm>> -> memref<10000xi32, #tpu.memory_space<hbm>>
      tpu.wait_dma2 semaphore(%run_scoped3A : memref<!tpu.dma_semaphore, #tpu.memory_space<semaphore_mem>>) src(%dma_wait3A_22 : memref<10000xi32, #tpu.memory_space<hbm>>) dst(%arg7 : memref<10000xi32, #tpu.memory_space<vmem>>)
      tpu.yield
    }) : () -> ()
    "tpu.region"() ({
      %run_scoped3A = tpu.sem_alloc : memref<!tpu.dma_semaphore, #tpu.memory_space<semaphore_mem>>
      %dma_start3A = arith.constant 0 : i32
      %dma_start3A_13 = tpu.memref_slice %arg4[%add3A, %dma_start3A] : memref<32x10000xi32, #tpu.memory_space<hbm>> -> memref<1x10000xi32, #tpu.memory_space<hbm>>
      %dma_start3A_14 = tpu.memref_squeeze %dma_start3A_13 : memref<1x10000xi32, #tpu.memory_space<hbm>> -> memref<10000xi32, #tpu.memory_space<hbm>>
      %dma_start3A_15 = arith.constant 0 : i32
      %dma_start3A_16 = tpu.memref_slice %arg4[%add3A, %dma_start3A_15] : memref<32x10000xi32, #tpu.memory_space<hbm>> -> memref<1x10000xi32, #tpu.memory_space<hbm>>
      %dma_start3A_17 = tpu.memref_squeeze %dma_start3A_16 : memref<1x10000xi32, #tpu.memory_space<hbm>> -> memref<10000xi32, #tpu.memory_space<hbm>>
      tpu.enqueue_dma source(%dma_start3A_17 : memref<10000xi32, #tpu.memory_space<hbm>>) target(%arg8 : memref<10000xi32, #tpu.memory_space<vmem>>) target_semaphore(%run_scoped3A : memref<!tpu.dma_semaphore, #tpu.memory_space<semaphore_mem>>)
      %dma_wait3A = arith.constant 0 : i32
      %dma_wait3A_18 = tpu.memref_slice %arg4[%add3A, %dma_wait3A] : memref<32x10000xi32, #tpu.memory_space<hbm>> -> memref<1x10000xi32, #tpu.memory_space<hbm>>
      %dma_wait3A_19 = tpu.memref_squeeze %dma_wait3A_18 : memref<1x10000xi32, #tpu.memory_space<hbm>> -> memref<10000xi32, #tpu.memory_space<hbm>>
      %dma_wait3A_20 = arith.constant 0 : i32
      %dma_wait3A_21 = tpu.memref_slice %arg4[%add3A, %dma_wait3A_20] : memref<32x10000xi32, #tpu.memory_space<hbm>> -> memref<1x10000xi32, #tpu.memory_space<hbm>>
      %dma_wait3A_22 = tpu.memref_squeeze %dma_wait3A_21 : memref<1x10000xi32, #tpu.memory_space<hbm>> -> memref<10000xi32, #tpu.memory_space<hbm>>
      tpu.wait_dma2 semaphore(%run_scoped3A : memref<!tpu.dma_semaphore, #tpu.memory_space<semaphore_mem>>) src(%dma_wait3A_22 : memref<10000xi32, #tpu.memory_space<hbm>>) dst(%arg8 : memref<10000xi32, #tpu.memory_space<vmem>>)
      tpu.yield
    }) : () -> ()
    %broadcast_in_dim3A = arith.constant 0.000000e+00 : f32
    %broadcast_in_dim3A_1 = vector.broadcast %broadcast_in_dim3A : f32 to vector<16xf32>
    %scan3A = arith.constant 0 : i32
    %scan3A_2 = arith.constant 0 : i32
    %scan3A_3 = arith.constant 640 : i32
    %scan3A_4 = arith.addi %scan3A_2, %scan3A_3 : i32
    %scan3A_5 = arith.constant 1 : i32
    scf.for %scan3A_13 = %scan3A_2 to %scan3A_4 step %scan3A_5  : i32 {
      %mul3A_14 = arith.constant 16 : i32
      %mul3A_15 = arith.muli %scan3A_13, %mul3A_14 : i32
      %swap3A = arith.index_cast %mul3A_15 : i32 to index
      %swap3A_16 = tpu.vector_load %arg9[%swap3A] {strides = array<i32>} : memref<10240xf32, #tpu.memory_space<vmem>>, vector<16xf32>,
      tpu.vector_store %arg9[%swap3A], %broadcast_in_dim3A_1 {strides = array<i32>} : memref<10240xf32, #tpu.memory_space<vmem>>, vector<16xf32>,
    }
    %scan3A_6 = arith.constant 640 : i32
    %scan3A_7 = arith.constant 0 : i32
    %scan3A_8 = arith.constant 0 : i32
    %scan3A_9 = arith.constant 625 : i32
    %scan3A_10 = arith.addi %scan3A_8, %scan3A_9 : i32
    %scan3A_11 = arith.constant 1 : i32
    scf.for %scan3A_13 = %scan3A_8 to %scan3A_10 step %scan3A_11  : i32 {
      %mul3A_14 = arith.constant 16 : i32
      %mul3A_15 = arith.muli %scan3A_13, %mul3A_14 : i32
      %get3A = arith.index_cast %mul3A_15 : i32 to index
      %get3A_16 = tpu.vector_load %arg7[%get3A] {strides = array<i32>} : memref<10000xi32, #tpu.memory_space<vmem>>, vector<16xi32>,
      %mul3A_17 = arith.constant 16 : i32
      %mul3A_18 = arith.muli %scan3A_13, %mul3A_17 : i32
      %get3A_19 = arith.index_cast %mul3A_18 : i32 to index
      %get3A_20 = tpu.vector_load %arg8[%get3A_19] {strides = array<i32>} : memref<10000xi32, #tpu.memory_space<vmem>>, vector<16xi32>,
      %gather3A = tpu.vector_load_idx %arg6[%get3A_16] : memref<10240xf32, #tpu.memory_space<vmem>>[vector<16xi32>], vector<16xf32>,
      tpu.vector_store_idx %arg9[%get3A_20], %gather3A {add = true} : memref<10240xf32, #tpu.memory_space<vmem>>[vector<16xi32>], vector<16xf32>,
    }
    %scan3A_12 = arith.constant 625 : i32
    "tpu.region"() ({
      %run_scoped3A = tpu.sem_alloc : memref<!tpu.dma_semaphore, #tpu.memory_space<semaphore_mem>>
      %dma_start3A = arith.constant 0 : i32
      %dma_start3A_13 = tpu.memref_slice %arg5[%add3A, %dma_start3A] : memref<32x10240xf32, #tpu.memory_space<hbm>> -> memref<1x10240xf32, #tpu.memory_space<hbm>>
      %dma_start3A_14 = tpu.memref_squeeze %dma_start3A_13 : memref<1x10240xf32, #tpu.memory_space<hbm>> -> memref<10240xf32, #tpu.memory_space<hbm>>
      %dma_start3A_15 = arith.constant 0 : i32
      %dma_start3A_16 = tpu.memref_slice %arg5[%add3A, %dma_start3A_15] : memref<32x10240xf32, #tpu.memory_space<hbm>> -> memref<1x10240xf32, #tpu.memory_space<hbm>>
      %dma_start3A_17 = tpu.memref_squeeze %dma_start3A_16 : memref<1x10240xf32, #tpu.memory_space<hbm>> -> memref<10240xf32, #tpu.memory_space<hbm>>
      tpu.enqueue_dma source(%arg9 : memref<10240xf32, #tpu.memory_space<vmem>>) target(%dma_start3A_17 : memref<10240xf32, #tpu.memory_space<hbm>>) target_semaphore(%run_scoped3A : memref<!tpu.dma_semaphore, #tpu.memory_space<semaphore_mem>>)
      %dma_wait3A = arith.constant 0 : i32
      %dma_wait3A_18 = tpu.memref_slice %arg5[%add3A, %dma_wait3A] : memref<32x10240xf32, #tpu.memory_space<hbm>> -> memref<1x10240xf32, #tpu.memory_space<hbm>>
      %dma_wait3A_19 = tpu.memref_squeeze %dma_wait3A_18 : memref<1x10240xf32, #tpu.memory_space<hbm>> -> memref<10240xf32, #tpu.memory_space<hbm>>
      %dma_wait3A_20 = arith.constant 0 : i32
      %dma_wait3A_21 = tpu.memref_slice %arg5[%add3A, %dma_wait3A_20] : memref<32x10240xf32, #tpu.memory_space<hbm>> -> memref<1x10240xf32, #tpu.memory_space<hbm>>
      %dma_wait3A_22 = tpu.memref_squeeze %dma_wait3A_21 : memref<1x10240xf32, #tpu.memory_space<hbm>> -> memref<10240xf32, #tpu.memory_space<hbm>>
      tpu.wait_dma2 semaphore(%run_scoped3A : memref<!tpu.dma_semaphore, #tpu.memory_space<semaphore_mem>>) src(%arg9 : memref<10240xf32, #tpu.memory_space<vmem>>) dst(%dma_wait3A_22 : memref<10240xf32, #tpu.memory_space<hbm>>)
      tpu.yield
    }) : () -> ()
    return
  }
}

module attributes {stable_mosaic.version = 14 : i64} {
  func.func @_tc_edges_body(%arg0: memref<2x320000xi32, #tpu.memory_space<vmem>>, %arg1: memref<320000xi32, #tpu.memory_space<vmem>>, %arg2: memref<320000xi32, #tpu.memory_space<vmem>>) attributes {dimension_semantics = [], scalar_prefetch = 0 : i64, scratch_operands = 0 : i64, tpu.core_type = #tpu.core_type<tc>} {
    %get3A = arith.constant 0 : index
    %get3A_0 = arith.constant 0 : index
    %get3A_1 = vector.load %arg0[%get3A, %get3A_0] : memref<2x320000xi32, #tpu.memory_space<vmem>>, vector<1x320000xi32>
    %get3A_2 = vector.shape_cast %get3A_1 : vector<1x320000xi32> to vector<320000xi32>
    %swap3A = arith.constant 0 : index
    %swap3A_3 = vector.load %arg1[%swap3A] : memref<320000xi32, #tpu.memory_space<vmem>>, vector<320000xi32>
    tpu.vector_store %arg1[%swap3A], %get3A_2 {strides = array<i32>} : memref<320000xi32, #tpu.memory_space<vmem>>, vector<320000xi32>,
    %get3A_4 = arith.constant 1 : index
    %get3A_5 = arith.constant 0 : index
    %get3A_6 = vector.load %arg0[%get3A_4, %get3A_5] : memref<2x320000xi32, #tpu.memory_space<vmem>>, vector<1x320000xi32>
    %get3A_7 = vector.shape_cast %get3A_6 : vector<1x320000xi32> to vector<320000xi32>
    %swap3A_8 = arith.constant 0 : index
    %swap3A_9 = vector.load %arg2[%swap3A_8] : memref<320000xi32, #tpu.memory_space<vmem>>, vector<320000xi32>
    tpu.vector_store %arg2[%swap3A_8], %get3A_7 {strides = array<i32>} : memref<320000xi32, #tpu.memory_space<vmem>>, vector<320000xi32>,
    return
  }
}

module attributes {stable_mosaic.version = 14 : i64} {
  func.func @_tc_dinv_body(%arg0: memref<32x10240xf32, #tpu.memory_space<vmem>>, %arg1: memref<1x10240xf32, #tpu.memory_space<vmem>>) attributes {dimension_semantics = [], scalar_prefetch = 0 : i64, scratch_operands = 0 : i64, tpu.core_type = #tpu.core_type<tc>} {
    %get3A = arith.constant 0 : index
    %get3A_0 = arith.constant 0 : index
    %get3A_1 = vector.load %arg0[%get3A, %get3A_0] : memref<32x10240xf32, #tpu.memory_space<vmem>>, vector<32x10240xf32>
    %reduce_sum3A = arith.constant dense<0.000000e+00> : vector<10240xf32>
    %reduce_sum3A_2 = vector.multi_reduction <add>, %get3A_1, %reduce_sum3A [0] : vector<32x10240xf32> to vector<10240xf32>
    %add3A = arith.constant 1.000000e+00 : f32
    %add3A_3 = vector.broadcast %add3A : f32 to vector<10240xf32>
    %add3A_4 = arith.addf %reduce_sum3A_2, %add3A_3 : vector<10240xf32>
    %rsqrt3A = math.rsqrt %add3A_4 : vector<10240xf32>
    %reshape3A = vector.shape_cast %rsqrt3A : vector<10240xf32> to vector<1x10240xf32>
    %swap3A = arith.constant 0 : index
    %swap3A_5 = arith.constant 0 : index
    %swap3A_6 = vector.load %arg1[%swap3A, %swap3A_5] : memref<1x10240xf32, #tpu.memory_space<vmem>>, vector<1x10240xf32>
    tpu.vector_store %arg1[%swap3A, %swap3A_5], %reshape3A {strides = array<i32>} : memref<1x10240xf32, #tpu.memory_space<vmem>>, vector<1x10240xf32>,
    return
  }
}

module attributes {stable_mosaic.version = 14 : i64} {
  func.func @_tc_l1_body(%arg0: i32, %arg1: memref<1024x256xf32, #tpu.memory_space<vmem>>, %arg2: memref<256x128xf32, #tpu.memory_space<vmem>>, %arg3: memref<1024x128xf32, #tpu.memory_space<vmem>>, %arg4: memref<1024x128xf32, #tpu.memory_space<vmem>>) attributes {dimension_semantics = [#tpu.dimension_semantics<arbitrary>], iteration_bounds = array<i64: 5>, scalar_prefetch = 0 : i64, scratch_operands = 0 : i64, tpu.core_type = #tpu.core_type<tc>, window_params = [{transform_indices = @transform_0, window_bounds = array<i64: 1024, 256>}, {pipeline_mode = #tpu.pipeline_mode<synchronous>, transform_indices = @transform_1, window_bounds = array<i64: 256, 128>}, {transform_indices = @transform_2, window_bounds = array<i64: 1024, 128>}, {transform_indices = @transform_3, window_bounds = array<i64: 1024, 128>}]} {
    %get3A = arith.constant 0 : index
    %get3A_0 = arith.constant 0 : index
    %get3A_1 = vector.load %arg1[%get3A, %get3A_0] : memref<1024x256xf32, #tpu.memory_space<vmem>>, vector<1024x256xf32>
    %get3A_2 = arith.constant 0 : index
    %get3A_3 = arith.constant 0 : index
    %get3A_4 = vector.load %arg2[%get3A_2, %get3A_3] : memref<256x128xf32, #tpu.memory_space<vmem>>, vector<256x128xf32>
    %dot_general3A = arith.constant dense<0.000000e+00> : vector<1024x128xf32>
    %dot_general3A_5 = tpu.matmul %get3A_1, %get3A_4, %dot_general3A {dimension_numbers = #tpu.dot_dimension_numbers<[1], [0], [0], [1], [0, 0, 1, 1], [], []>, transpose_lhs_hint = false} : vector<1024x256xf32>, vector<256x128xf32>, vector<1024x128xf32> -> vector<1024x128xf32>
    %get3A_6 = arith.constant 0 : index
    %get3A_7 = arith.constant 0 : index
    %get3A_8 = vector.load %arg3[%get3A_6, %get3A_7] : memref<1024x128xf32, #tpu.memory_space<vmem>>, vector<1024x128xf32>
    %mul3A = arith.mulf %dot_general3A_5, %get3A_8 : vector<1024x128xf32>
    %swap3A = arith.constant 0 : index
    %swap3A_9 = arith.constant 0 : index
    %swap3A_10 = vector.load %arg4[%swap3A, %swap3A_9] : memref<1024x128xf32, #tpu.memory_space<vmem>>, vector<1024x128xf32>
    tpu.vector_store %arg4[%swap3A, %swap3A_9], %mul3A {strides = array<i32>} : memref<1024x128xf32, #tpu.memory_space<vmem>>, vector<1024x128xf32>,
    return
  }
  func.func @transform_0(%arg0: i32) -> (i32, i32) {
    %c0_i32 = arith.constant 0 : i32
    %c0_i32_0 = arith.constant 0 : i32
    return %arg0, %c0_i32 : i32, i32
  }
  func.func @transform_1(%arg0: i32) -> (i32, i32) {
    %c0_i32 = arith.constant 0 : i32
    %c0_i32_0 = arith.constant 0 : i32
    %c0_i32_1 = arith.constant 0 : i32
    return %c0_i32, %c0_i32_0 : i32, i32
  }
  func.func @transform_2(%arg0: i32) -> (i32, i32) {
    %c0_i32 = arith.constant 0 : i32
    %c0_i32_0 = arith.constant 0 : i32
    return %arg0, %c0_i32 : i32, i32
  }
  func.func @transform_3(%arg0: i32) -> (i32, i32) {
    %c0_i32 = arith.constant 0 : i32
    %c0_i32_0 = arith.constant 0 : i32
    return %arg0, %c0_i32 : i32, i32
  }
}

module attributes {stable_mosaic.version = 14 : i64} {
  func.func @_tc_mid_body(%arg0: i32, %arg1: memref<2x1024x128xf32, #tpu.memory_space<vmem>>, %arg2: memref<1024x128xf32, #tpu.memory_space<vmem>>, %arg3: memref<1024x128xf32, #tpu.memory_space<vmem>>, %arg4: memref<1x128xf32, #tpu.memory_space<vmem>>, %arg5: memref<128x128xf32, #tpu.memory_space<vmem>>, %arg6: memref<1024x128xf32, #tpu.memory_space<vmem>>) attributes {dimension_semantics = [#tpu.dimension_semantics<arbitrary>], iteration_bounds = array<i64: 5>, scalar_prefetch = 0 : i64, scratch_operands = 0 : i64, tpu.core_type = #tpu.core_type<tc>, window_params = [{transform_indices = @transform_0, window_bounds = array<i64: 2, 1024, 128>}, {transform_indices = @transform_1, window_bounds = array<i64: 1024, 128>}, {transform_indices = @transform_2, window_bounds = array<i64: 1024, 128>}, {pipeline_mode = #tpu.pipeline_mode<synchronous>, transform_indices = @transform_3, window_bounds = array<i64: 1, 128>}, {pipeline_mode = #tpu.pipeline_mode<synchronous>, transform_indices = @transform_4, window_bounds = array<i64: 128, 128>}, {transform_indices = @transform_5, window_bounds = array<i64: 1024, 128>}]} {
    %get3A = arith.constant 0 : index
    %get3A_0 = arith.constant 0 : index
    %get3A_1 = arith.constant 0 : index
    %get3A_2 = vector.load %arg1[%get3A, %get3A_0, %get3A_1] : memref<2x1024x128xf32, #tpu.memory_space<vmem>>, vector<1x1024x128xf32>
    %get3A_3 = vector.shape_cast %get3A_2 : vector<1x1024x128xf32> to vector<1024x128xf32>
    %get3A_4 = arith.constant 1 : index
    %get3A_5 = arith.constant 0 : index
    %get3A_6 = arith.constant 0 : index
    %get3A_7 = vector.load %arg1[%get3A_4, %get3A_5, %get3A_6] : memref<2x1024x128xf32, #tpu.memory_space<vmem>>, vector<1x1024x128xf32>
    %get3A_8 = vector.shape_cast %get3A_7 : vector<1x1024x128xf32> to vector<1024x128xf32>
    %add3A = arith.addf %get3A_3, %get3A_8 : vector<1024x128xf32>
    %get3A_9 = arith.constant 0 : index
    %get3A_10 = arith.constant 0 : index
    %get3A_11 = vector.load %arg3[%get3A_9, %get3A_10] : memref<1024x128xf32, #tpu.memory_space<vmem>>, vector<1024x128xf32>
    %get3A_12 = arith.constant 0 : index
    %get3A_13 = arith.constant 0 : index
    %get3A_14 = vector.load %arg2[%get3A_12, %get3A_13] : memref<1024x128xf32, #tpu.memory_space<vmem>>, vector<1024x128xf32>
    %add3A_15 = arith.addf %add3A, %get3A_14 : vector<1024x128xf32>
    %mul3A = arith.mulf %get3A_11, %add3A_15 : vector<1024x128xf32>
    %get3A_16 = arith.constant 0 : index
    %get3A_17 = arith.constant 0 : index
    %get3A_18 = vector.load %arg4[%get3A_16, %get3A_17] : memref<1x128xf32, #tpu.memory_space<vmem>>, vector<1x128xf32>
    %add3A_19 = vector.broadcast %get3A_18 : vector<1x128xf32> to vector<1024x128xf32>
    %add3A_20 = arith.addf %mul3A, %add3A_19 : vector<1024x128xf32>
    %max3A = arith.constant 0.000000e+00 : f32
    %max3A_21 = vector.broadcast %max3A : f32 to vector<1024x128xf32>
    %max3A_22 = arith.maximumf %add3A_20, %max3A_21 : vector<1024x128xf32>
    %get3A_23 = arith.constant 0 : index
    %get3A_24 = arith.constant 0 : index
    %get3A_25 = vector.load %arg5[%get3A_23, %get3A_24] : memref<128x128xf32, #tpu.memory_space<vmem>>, vector<128x128xf32>
    %dot_general3A = arith.constant dense<0.000000e+00> : vector<1024x128xf32>
    %dot_general3A_26 = tpu.matmul %max3A_22, %get3A_25, %dot_general3A {dimension_numbers = #tpu.dot_dimension_numbers<[1], [0], [0], [1], [0, 0, 1, 1], [], []>, transpose_lhs_hint = false} : vector<1024x128xf32>, vector<128x128xf32>, vector<1024x128xf32> -> vector<1024x128xf32>
    %mul3A_27 = arith.mulf %dot_general3A_26, %get3A_11 : vector<1024x128xf32>
    %swap3A = arith.constant 0 : index
    %swap3A_28 = arith.constant 0 : index
    %swap3A_29 = vector.load %arg6[%swap3A, %swap3A_28] : memref<1024x128xf32, #tpu.memory_space<vmem>>, vector<1024x128xf32>
    tpu.vector_store %arg6[%swap3A, %swap3A_28], %mul3A_27 {strides = array<i32>} : memref<1024x128xf32, #tpu.memory_space<vmem>>, vector<1024x128xf32>,
    return
  }
  func.func @transform_0(%arg0: i32) -> (i32, i32, i32) {
    %c0_i32 = arith.constant 0 : i32
    %c0_i32_0 = arith.constant 0 : i32
    %c0_i32_1 = arith.constant 0 : i32
    return %c0_i32, %arg0, %c0_i32_0 : i32, i32, i32
  }
  func.func @transform_1(%arg0: i32) -> (i32, i32) {
    %c0_i32 = arith.constant 0 : i32
    %c0_i32_0 = arith.constant 0 : i32
    return %arg0, %c0_i32 : i32, i32
  }
  func.func @transform_2(%arg0: i32) -> (i32, i32) {
    %c0_i32 = arith.constant 0 : i32
    %c0_i32_0 = arith.constant 0 : i32
    return %arg0, %c0_i32 : i32, i32
  }
  func.func @transform_3(%arg0: i32) -> (i32, i32) {
    %c0_i32 = arith.constant 0 : i32
    %c0_i32_0 = arith.constant 0 : i32
    %c0_i32_1 = arith.constant 0 : i32
    return %c0_i32, %c0_i32_0 : i32, i32
  }
  func.func @transform_4(%arg0: i32) -> (i32, i32) {
    %c0_i32 = arith.constant 0 : i32
    %c0_i32_0 = arith.constant 0 : i32
    %c0_i32_1 = arith.constant 0 : i32
    return %c0_i32, %c0_i32_0 : i32, i32
  }
  func.func @transform_5(%arg0: i32) -> (i32, i32) {
    %c0_i32 = arith.constant 0 : i32
    %c0_i32_0 = arith.constant 0 : i32
    return %arg0, %c0_i32 : i32, i32
  }
}

module attributes {stable_mosaic.version = 14 : i64} {
  func.func @_tc_final_body(%arg0: memref<32x10240xf32, #tpu.memory_space<vmem>>, %arg1: memref<1x10240xf32, #tpu.memory_space<vmem>>, %arg2: memref<1x10240xf32, #tpu.memory_space<vmem>>, %arg3: memref<1x1xf32, #tpu.memory_space<vmem>>, %arg4: memref<1x10240xf32, #tpu.memory_space<vmem>>) attributes {dimension_semantics = [], scalar_prefetch = 0 : i64, scratch_operands = 0 : i64, tpu.core_type = #tpu.core_type<tc>} {
    %get3A = arith.constant 0 : index
    %get3A_0 = arith.constant 0 : index
    %get3A_1 = vector.load %arg0[%get3A, %get3A_0] : memref<32x10240xf32, #tpu.memory_space<vmem>>, vector<32x10240xf32>
    %reduce_sum3A = arith.constant dense<0.000000e+00> : vector<10240xf32>
    %reduce_sum3A_2 = vector.multi_reduction <add>, %get3A_1, %reduce_sum3A [0] : vector<32x10240xf32> to vector<10240xf32>
    %get3A_3 = arith.constant 0 : index
    %get3A_4 = arith.constant 0 : index
    %get3A_5 = vector.load %arg2[%get3A_3, %get3A_4] : memref<1x10240xf32, #tpu.memory_space<vmem>>, vector<1x10240xf32>
    %reshape3A = vector.shape_cast %reduce_sum3A_2 : vector<10240xf32> to vector<1x10240xf32>
    %get3A_6 = arith.constant 0 : index
    %get3A_7 = arith.constant 0 : index
    %get3A_8 = vector.load %arg1[%get3A_6, %get3A_7] : memref<1x10240xf32, #tpu.memory_space<vmem>>, vector<1x10240xf32>
    %add3A = arith.addf %reshape3A, %get3A_8 : vector<1x10240xf32>
    %mul3A = arith.mulf %get3A_5, %add3A : vector<1x10240xf32>
    %get3A_9 = arith.constant 0 : index
    %get3A_10 = arith.constant 0 : index
    %get3A_11 = vector.load %arg3[%get3A_9, %get3A_10] : memref<1x1xf32, #tpu.memory_space<vmem>>, vector<1x1xf32>
    %get3A_12 = vector.extract %get3A_11[0, 0] : f32 from vector<1x1xf32>
    %add3A_13 = vector.broadcast %get3A_12 : f32 to vector<1x10240xf32>
    %add3A_14 = arith.addf %mul3A, %add3A_13 : vector<1x10240xf32>
    %swap3A = arith.constant 0 : index
    %swap3A_15 = arith.constant 0 : index
    %swap3A_16 = vector.load %arg4[%swap3A, %swap3A_15] : memref<1x10240xf32, #tpu.memory_space<vmem>>, vector<1x10240xf32>
    tpu.vector_store %arg4[%swap3A, %swap3A_15], %add3A_14 {strides = array<i32>} : memref<1x10240xf32, #tpu.memory_space<vmem>>, vector<1x10240xf32>,
    return
  }
}

</mosaic_0001>

<sc_bundles>
// kernel: kernel.12.cloned.1.call-start
scs
__scs_entry_jumppad:
0x0: {  	(pc) =	sbr.rel $0x88, $3  }
0x1: {  	(tag) =	ssettag $0x0;
	lr =	simm.s32 $0x1  }
0x2: {  	[smem:$0x3F99] =	sst lr;
	_ =	strace $0xD0000000  }
0x3: {  	_ = 	snop  }
0x4: {  	_ = 	snop  }
0x5: {  	_ = 	snop  }
0x6: {  	_ = 	snop  }
0x7: {  	_ = 	snop  }
__scs_overlays_trampoline_lowered:
0x8: {  	[smem:$0x3FA8] =	sst s0  }
0x9: {  	[smem:$0x3FA9] =	sst s1  }
0xa: {  	[smem:$0x3FAA] =	sst s2  }
0xb: {  	[smem:$0x3FAB] =	sst s3  }
0xc: {  	[smem:$0x3FAC] =	sst s4  }
0xd: {  	[smem:$0x3FAD] =	sst s5  }
0xe: {  	[smem:$0x3FAE] =	sst s6  }
0xf: {  	[smem:$0x3FAF] =	sst s7  }
0x10: {  	[smem:$0x3FB0] =	sst s8  }
0x11: {  	[smem:$0x3FB1] =	sst s9;
	s0 =	simm.s32 @!p0 $0x0  }
0x12: {  	s1 =	sld [smem:$0x3F97];
	s0 =	simm.s32 @p0 $0x1  }
0x13: {  	[smem:$0x3FB2] =	sst s0;
	s0 =	simm.s32 @!p1 $0x0  }
0x14: {  	s2 =	sld [smem:$0x3F96];
	s0 =	simm.s32 @p1 $0x1  }
0x15: {  	[smem:$0x3FB3] =	sst s0;
	s0 =	simm.s32 @!p2 $0x0  }
0x16: {  	s3 =	sld [smem:$0x3FDB];
	s0 =	simm.s32 @p2 $0x1  }
0x17: {  	s4 =	simm.s32 $0x1BF5;
	[smem:$0x3FB5] =	sst s0  }
0x18: {  	s0 =	sld [smem:$0x3F98];
	_ =	swait.ge [sflag:s4], $0x0  }
0x19: {  	s7 =	sld [smem:$0x3F99]  }
0x1a: {  	s8 =	sadd.s32 $0xFFFFE003, lr  }
0x1b: {  	s9 =	sadd.s32 $0xFFFFFEF7, lr;
	s5 =	simm.s32 $0xFFFFFFFF;
	p2 =	slt.u32 s8, $0xFFFFF086  }
0x1c: {  	p1 =	slt.u32 s9, $0xF7A;
	s5 =	simm.s32 @!p2 $0x0  }
0x1d: {  	s5 =	simm.s32 @p1 $0x1;
	p0 =	seq.s32 s7, s2  }
0x1e: {  	s7 =	smul.u32 @!p0 $0xF7A, s2;
	p2 =	seq.s32 @!p0 s5, $0x0  }
0x1f: {  	s9 =	smul.u32 $0xF7A, s1;
	s8 =	simm.s32 @!p0 $0x1BF5;
	p2 =	por !p2, p0  }
0x20: {  	[sflag:s8] =	ssyncset.s32 @!p0 $0xFFFFF086;
	s6 =	sadd.s32 @!p0 s3, s7;
	s7 =	simm.s32 @!p0 $0x108  }
0x21: {  	s3 =	sadd.s32 s3, s9;
	s6 =	sadd.s32 @!p0 $0x88, s6;
	s7 =	simm.s32 @p2 $0x1082  }
0x22: {  	[simem:s7], [sflag:s8] =	dma.local @!p0 [hbm:s6], $0xF7A  }
0x23: {  	s9 =	sor.u32 $0xD0000000, s2;
	s6 =	simm.s32 $0x108;
	_ =	swait.ge @!p0 [sflag:s8], $0x0  }
0x24: {  	s3 =	sadd.s32 $0x88, s3;
	s6 =	simm.s32 @!p1 $0x1082;
	[sflag:s4] =	ssyncset.s32 $0xFFFFF086  }
0x25: {  	[simem:s6], [sflag:s4] =	dma.local [hbm:s3], $0xF7A  }
0x26: {  	[smem:$0x3F99] =	sst s1;
	(tag) =	ssettag s2;
	_ =	strace s9  }
0x27: {  	s1 =	sld [smem:$0x3FA9]  }
0x28: {  	s2 =	sld [smem:$0x3FAA]  }
0x29: {  	s4 =	sld [smem:$0x3FAC]  }
0x2a: {  	p0 =	seq.s32 s5, $0x0;
	s5 =	sld [smem:$0x3FAD]  }
0x2b: {  	s6 =	sld [smem:$0x3FAE]  }
0x2c: {  	s7 =	sld [smem:$0x3FAF]  }
0x2d: {  	s3 =	simm.s32 $0x108;
	s8 =	sld [smem:$0x3FB0]  }
0x2e: {  	s3 =	simm.s32 @!p0 $0x1082;
	s9 =	sld [smem:$0x3FB1]  }
0x2f: {  	lr =	sadd.s32 s0, s3;
	s0 =	sld [smem:$0x3FA8]  }
0x30: {  	s3 =	sld [smem:$0x3FAB]  }
0x31: {  	[smem:$0x3FB4] =	sst s10  }
0x32: {  	s10 =	sld [smem:$0x3FB2];
	_ =	sdelay $0x3  }
0x33: {  	p0 =	seq.s32 s10, $0x1;
	s10 =	sld [smem:$0x3FB4];
	_ =	sdelay $0x3  }
0x34: {  	[smem:$0x3FB4] =	sst s10  }
0x35: {  	s10 =	sld [smem:$0x3FB3];
	_ =	sdelay $0x3  }
0x36: {  	p1 =	seq.s32 s10, $0x1;
	s10 =	sld [smem:$0x3FB4];
	_ =	sdelay $0x3  }
0x37: {  	[smem:$0x3FB4] =	sst s10  }
0x38: {  	s10 =	sld [smem:$0x3FB5]  }
0x39: {  	_ = 	snop;
	(pc) =	sbr.ind lr, $3  }
0x3a: {  	_ = 	snop  }
0x3b: {  	_ = 	snop  }
0x3c: {  	p2 =	seq.s32 s10, $0x1;
	s10 =	sld [smem:$0x3FB4]  }
0x3d: {  	_ =	shalt  }
0x3e: {  	_ =	shalt  }
0x3f: {  	_ =	shalt  }
0x40: {  	_ =	shalt  }
0x41: {  	_ =	shalt  }
0x42: {  	_ =	shalt  }
0x43: {  	_ =	shalt  }
0x44: {  	_ =	shalt  }
0x45: {  	_ =	shalt  }
0x46: {  	_ =	shalt  }
0x47: {  	_ =	shalt  }
0x48: {  	_ =	shalt  }
0x49: {  	_ =	shalt  }
0x4a: {  	_ =	shalt  }
0x4b: {  	_ =	shalt  }
0x4c: {  	_ =	shalt  }
0x4d: {  	_ =	shalt  }
0x4e: {  	_ =	shalt  }
0x4f: {  	_ =	shalt  }
0x50: {  	_ =	shalt  }
0x51: {  	_ =	shalt  }
0x52: {  	_ =	shalt  }
0x53: {  	_ =	shalt  }
0x54: {  	_ =	shalt  }
0x55: {  	_ =	shalt  }
0x56: {  	_ =	shalt  }
0x57: {  	_ =	shalt  }
0x58: {  	_ =	shalt  }
0x59: {  	_ =	shalt  }
0x5a: {  	_ =	shalt  }
0x5b: {  	_ =	shalt  }
0x5c: {  	_ =	shalt  }
0x5d: {  	_ =	shalt  }
0x5e: {  	_ =	shalt  }
0x5f: {  	_ =	shalt  }
0x60: {  	_ =	shalt  }
0x61: {  	_ =	shalt  }
0x62: {  	_ =	shalt  }
0x63: {  	_ =	shalt  }
0x64: {  	_ =	shalt  }
0x65: {  	_ =	shalt  }
0x66: {  	_ =	shalt  }
0x67: {  	_ =	shalt  }
0x68: {  	_ =	shalt  }
0x69: {  	_ =	shalt  }
0x6a: {  	_ =	shalt  }
0x6b: {  	_ =	shalt  }
0x6c: {  	_ =	shalt  }
0x6d: {  	_ =	shalt  }
0x6e: {  	_ =	shalt  }
0x6f: {  	_ =	shalt  }
0x70: {  	_ =	shalt  }
0x71: {  	_ =	shalt  }
0x72: {  	_ =	shalt  }
0x73: {  	_ =	shalt  }
0x74: {  	_ =	shalt  }
0x75: {  	_ =	shalt  }
0x76: {  	_ =	shalt  }
0x77: {  	_ =	shalt  }
0x78: {  	_ =	shalt  }
0x79: {  	_ =	shalt  }
0x7a: {  	_ =	shalt  }
0x7b: {  	_ =	shalt  }
0x7c: {  	_ =	shalt  }
0x7d: {  	_ =	shalt  }
0x7e: {  	_ =	shalt  }
0x7f: {  	_ =	shalt  }
0x80: {  	_ =	shalt  }
0x81: {  	_ =	shalt  }
0x82: {  	_ =	shalt  }
0x83: {  	_ =	shalt  }
0x84: {  	_ =	shalt  }
0x85: {  	_ =	shalt  }
0x86: {  	_ =	shalt  }
0x87: {  	_ =	shalt  }
.Lfunc_end0:
.L_simem_size_0:
called_computation_lowered:
.L_overlay_start_0:
0x88: {  	s2 =	sld [smem:$0x3FD9]  }
0x89: {  	s3 =	sld [smem:$0x3FFE];
	_ =	sdelay $0x1  }
0x8a: {  	s1 =	srdreg.scid  }
0x8b: {  	s0 =	sand.u32 $0x1, s1  }
0x8c: {  	s16 =	sshll.u32 s0, $0xA;
	s2 =	sadd.s32 s3, s2  }
0x8d: {  	s2 =	sadd.s32 s2, s16  }
0x8e: {  	[smem:$0x3FC0] =	sst s2  }
0x8f: {  	_ = 	snop  }
0x90: {  	(tm) =	ssettm $0x1  }
0x91: {  	s17 =	sld [smem:$0x3FFB];
	_ =	sdelay $0x3  }
0x92: {  	_ =	strace s17  }
0x93: {  	s2 =	sld [smem:$0x3FFC];
	_ =	sdelay $0x3  }
0x94: {  	_ =	strace s2  }
0x95: {  	s2 =	sld [smem:$0x3FFD];
	_ =	sdelay $0x3  }
0x96: {  	_ =	strace s2  }
0x97: {  	_ =	strace $0x8FFFFFFF  }
0x98: {  	s18 =	sld [smem:$0x3FDB];
	_ =	sdelay $0x1  }
0x99: {  	s19 =	simm.s32 $_scs_section_size  }
0x9a: {  	s4 =	simm.s32 $_size__tile_overlayer_lowered;
	s5 =	simm.s32 $_tile_overlayer_lowered  }
0x9b: {  	s22 =	simm.s32 $0x1BFF;
	s21 =	sshll.u32 s5, $0x1;
	s2 =	sadd.s32 s19, s18  }
0x9c: {  	s6 =	simm.s32 $0x0;
	s20 =	sshll.u32 s4, $0x1;
	s4 =	sadd.s32 s21, s2  }
0x9d: {  	[timem:s6], [sflag:s22] =	dma.local [hbm:s4], s20  }
0x9e: {  	_ =	swait.ge [sflag:s22], s20  }
0x9f: {  	s3 =	ssub.s32 $0x0, s20;
	[sflag:s22] =	ssyncset.done $0x0  }
0xa0: {  	[sflag:s22] =	ssyncadd.s32 s3;
	_ =	sdelay $0x1  }
0xa1: {  	s23 =	simm.s32 $0x1B8B  }
0xa2: {  	_ =	swait.ge [sflag:s23], $0x1  }
0xa3: {  	[sflag:s23] =	ssyncset.done $0x0  }
0xa4: {  	s25 =	simm.s32 $0x1B8E;
	s24 =	sld [smem:$0x3FFE];
	[sflag:s23] =	ssyncadd.s32 $0xFFFFFFFF  }
0xa5: {  	s26 =	simm.s32 $execute0_lowered;
	[smem:$0x3FD2] =	sst s25  }
0xa6: {  	s4 =	sshll.u32 s26, $0x1;
	_ =	strace $0x80000046;
	[dreg:$0x1] =	wrdreg $0xFFFFFFFF  }
0xa7: {  	s28 =	simm.s32 $_size_execute0_lowered;
	s2 =	sadd.s32 s2, s4;
	[dreg:$0x0] =	wrdreg $0x0  }
0xa8: {  	s4 =	sshll.u32 s28, $0x1;
	[dreg:$0x2] =	wrdreg s2  }
0xa9: {  	[dreg:$0x3] =	wrdreg s4  }
0xaa: {  	[dreg:$0x4] =	wrdreg $0xC0  }
0xab: {  	_ =	task [dreg:s6], $0x5FFFF  }
0xac: {  	[dreg:$0x1] =	wrdreg $0xFFFFFFFF  }
0xad: {  	[dreg:$0x0] =	wrdreg $0x60  }
0xae: {  	[dreg:$0x2] =	wrdreg s24  }
0xaf: {  	[dreg:$0x3] =	wrdreg $0x9  }
0xb0: {  	_ =	task.clear_ibuf [dreg:s6], $0x4FFFF;
	_ =	strace $0x90000046  }
0xb1: {  	s29 =	simm.s32 $0x9;
	_ =	strace $0x80000048  }
0xb2: {  	_ =	swait.ge [sflag:s29], $0x1  }
0xb3: {  	[sflag:s29] =	ssyncadd.s32 $0xFFFFFFFF  }
0xb4: {  	_ =	strace $0x90000048  }
0xb5: {  	_ =	sfence  }
0xb6: {  	s30 =	sld [smem:$0x0];
	_ =	sdelay $0x2  }
0xb7: {  	s31 =	sshll.u32 s1, $0xD;
	s1 =	sshrl.u32 s1, $0x2  }
0xb8: {  	s3 =	sand.u32 $0x4000, s31;
	s1 =	sadd.s32 s1, s30  }
0xb9: {  	s0 =	sor.u32 s3, s0;
	s1 =	sshll.u32 s1, $0x11  }
0xba: {  	s0 =	sor.u32 s1, s0  }
0xbb: {  	s0 =	sadd.s32 $0x8F2B, s0  }
0xbc: {  	[sflag:s0] =	ssyncadd.remote.s32 $0x1  }
0xbd: {  	_ =	sfence.sel $0xFFFF  }
0xbe: {  	[dreg:$0x0] =	wrdreg $0xFFFFFFFF;
	(pc) =	sbr.abs _section_cstart, $3  }
0xbf: {  	[dreg:$0x1] =	wrdreg $0xFFFFFFFF  }
0xc0: {  	_ =	task.clear_ibuf [dreg:s6], $0x2FFFF;
	_ =	strace $0x9FFFFFFF  }
0xc1: {  	(tm) =	ssettm $0x7FFFFFFF  }
tec
execute0_lowered:
.L_overlay_start_1:
0x0: {  	(tag) =	ssettag $0x1  }
0x1: {  	s0 =	srdreg.scid  }
0x2: {  	s3 =	sand.u32 $0x1, s0  }
0x3: {  	s4 =	rddreg [dreg:$0x0];
	s0 =	stileid.u32;
	s1 =	sshll.u32 s3, $0x4  }
0x4: {  	s2 =	simm.s32 $0x0;
	s8 =	simm.s32 $0x0;
	s5 =	sor.u32 s0, s1  }
0x5: {  	[smem:$0x7FF] =	sst s2;
	s3 =	ssub.s32 $0x2, s3;
	s6 =	smul.u32 $0x4E2, s5  }
0x6: {  	s1 =	rddreg [dreg:$0x1];
	s7 =	sshrl.u32 s3, $0x1;
	s5 =	smul.u32 $0x500, s5  }
0x7: {  	_ =	strace $0x80000047;
	s31 =	ssub.s32 s3, s7;
	s7 =	simm.s32 $0x2710  }
0x8: {  	s6 =	sadd.s32 s6, s4;
	s4 =	sadd.s32 s5, s4;
	s5 =	smax.u32 s31, $0x1  }
0x9: {  	v0 =	vimm.f32 $0.0e+00;
	v1 =	vimm.f32 $1.000000000e+00;
	s3 =	sadd.s32 $0x3400, s6;
	s4 =	sadd.s32 $0x17000, s4;
	s6 =	simm.s32 $0x1  }
.LBB2_1:
0xa: {  	[tilespmem:s2], [sflag:$0x1] =	stream.linear.gather [hbm4b:s3+s2], $0x2710, $0x38;
	[tilespmem:$0x4F10] =	vst v63  }
0xb: {  	_ =	swait.ge [sflag:s6], $0x2710  }
0xc: {  	[sflag:s6] =	ssyncset.done $0x0  }
0xd: {  	s9 =	simm.s32 $0x0;
	[sflag:s6] =	ssyncadd.s32 $0xFFFFD8F0  }
.LBB2_2:
0xe: {  	p0 =	sne.s32 s9, $0x9FC0  }
.Ltmp0:
0xf: {  	_ = 	snop;
	(pc) =	sbr.rel @p0 .LBB2_2-.Ltmp0, $3  }
0x10: {  	_ =	sdelay $0x1  }
0x11: {  	s10 =	sshra.s32 s9, $0x2  }
0x12: {  	s9 =	sadd.s32 $0x40, s9;
	[tilespmem:s10+$0x2710] =	vst v0  }
0x13: {  	s10 =	simm.s32 $0x0;
	s9 =	simm.s32 $0x40  }
.LBB2_4:
0x14: {  	p0 =	sne.s32 s9, $0x9C00;
	v2 =	vld [tilespmem:s10+$0x0];
	_ =	sdelay $0x3  }
.Ltmp1:
0x15: {  	(pc) =	sbr.rel @p0 .LBB2_4-.Ltmp1, $2  }
0x16: {  	_ =	sdelay $0x2  }
0x17: {  	s10 =	sshra.s32 s9, $0x2;
	s9 =	sadd.s32 $0x40, s9;
	[tilespmem:v2+s7+$0x0] =	vst.idx.add.f32.msk $0xffff, v1  }
0x18: {  	v2 =	vld [tilespmem:s10+$0x0];
	_ =	sdelay $0x5  }
0x19: {  	s8 =	sadd.s32 $0x1, s8  }
0x1a: {  	p0 =	sne.s32 s8, s5  }
.Ltmp2:
0x1b: {  	[tilespmem:v2+s7+$0x0] =	vst.idx.add.f32.msk $0xffff, v1;
	(pc) =	sbr.rel @p0 .LBB2_1-.Ltmp2, $4  }
0x1c: {  	[hbm4b:s4+s2] =	stream.linear.scatter [tilespmem:s7], [sflag:$0x1], $0x2800, $0x38;
	[tilespmem:$0x4F10] =	vst v63  }
0x1d: {  	_ =	swait.ge [sflag:s6], $0x2800  }
0x1e: {  	[sflag:s6] =	ssyncset.done $0x0  }
0x1f: {  	[sflag:s6] =	ssyncadd.s32 $0xFFFFD800  }
0x20: {  	_ =	sfence.sel $0x180000  }
0x21: {  	[bflag:$0x0] =	sbarrier.arrive $0xFFFF  }
0x22: {  	p0 =	sne.s32 s0, $0x0;
	_ =	strace $0x90000047  }
0x23: {  	s0 =	sadd.s32 @!p0 $0x100000, s1;
	[bflag:$0x2] =	sbarrier.arrive $0xFFFF  }
0x24: {  	[sflag:s0] =	ssyncadd.tile.s32 @!p0 $0x1;
	_ =	shalt  }
.Lfunc_end2:
_tile_overlayer_lowered:
.L_overlay_start_2:
0x25: {  	(tag) =	ssettag $0x2  }
0x26: {  	s0 =	rddreg [dreg:$0x0];
	s2 =	stileid.u32  }
0x27: {  	s1 =	rddreg [dreg:$0x1];
	p0 =	sne.s32 s2, $0x0  }
0x28: {  	s3 =	rddreg [dreg:$0x2];
	[bflag:$0x3] =	sbarrier.arrive $0xFFFF;
	s2 =	simm.s32 @!p0 $0x1C01  }
0x29: {  	[timem:s3], [sflag:s2] =	dma.local @!p0 [hbm:s0], s1  }
0x2a: {  	s0 =	simm.s32 @!p0 $0x1  }
0x2b: {  	_ =	swait.ge @!p0 [sflag:s0], s1  }
0x2c: {  	s1 =	ssub.s32 @!p0 $0x0, s1;
	[sflag:s0] =	ssyncset.done @!p0 $0x0  }
0x2d: {  	[sflag:s0] =	ssyncadd.s32 @!p0 s1  }
0x2e: {  	[bflag:$0x3] =	sbarrier.arrive $0xFFFF  }
0x2f: {  	_ =	shalt  }

// kernel: kernel.15.cloned.1.call-start
scs
__scs_entry_jumppad:
0x0: {  	(pc) =	sbr.rel $0x88, $3  }
0x1: {  	(tag) =	ssettag $0x0;
	lr =	simm.s32 $0x1  }
0x2: {  	[smem:$0x3F99] =	sst lr;
	_ =	strace $0xD0000000  }
0x3: {  	_ = 	snop  }
0x4: {  	_ = 	snop  }
0x5: {  	_ = 	snop  }
0x6: {  	_ = 	snop  }
0x7: {  	_ = 	snop  }
__scs_overlays_trampoline_lowered:
0x8: {  	[smem:$0x3FA8] =	sst s0  }
0x9: {  	[smem:$0x3FA9] =	sst s1  }
0xa: {  	[smem:$0x3FAA] =	sst s2  }
0xb: {  	[smem:$0x3FAB] =	sst s3  }
0xc: {  	[smem:$0x3FAC] =	sst s4  }
0xd: {  	[smem:$0x3FAD] =	sst s5  }
0xe: {  	[smem:$0x3FAE] =	sst s6  }
0xf: {  	[smem:$0x3FAF] =	sst s7  }
0x10: {  	[smem:$0x3FB0] =	sst s8  }
0x11: {  	[smem:$0x3FB1] =	sst s9;
	s0 =	simm.s32 @!p0 $0x0  }
0x12: {  	s1 =	sld [smem:$0x3F97];
	s0 =	simm.s32 @p0 $0x1  }
0x13: {  	[smem:$0x3FB2] =	sst s0;
	s0 =	simm.s32 @!p1 $0x0  }
0x14: {  	s2 =	sld [smem:$0x3F96];
	s0 =	simm.s32 @p1 $0x1  }
0x15: {  	[smem:$0x3FB3] =	sst s0;
	s0 =	simm.s32 @!p2 $0x0  }
0x16: {  	s3 =	sld [smem:$0x3FDB];
	s0 =	simm.s32 @p2 $0x1  }
0x17: {  	s4 =	simm.s32 $0x1BF5;
	[smem:$0x3FB5] =	sst s0  }
0x18: {  	s0 =	sld [smem:$0x3F98];
	_ =	swait.ge [sflag:s4], $0x0  }
0x19: {  	s7 =	sld [smem:$0x3F99]  }
0x1a: {  	s8 =	sadd.s32 $0xFFFFE003, lr  }
0x1b: {  	s9 =	sadd.s32 $0xFFFFFEF7, lr;
	s5 =	simm.s32 $0xFFFFFFFF;
	p2 =	slt.u32 s8, $0xFFFFF086  }
0x1c: {  	p1 =	slt.u32 s9, $0xF7A;
	s5 =	simm.s32 @!p2 $0x0  }
0x1d: {  	s5 =	simm.s32 @p1 $0x1;
	p0 =	seq.s32 s7, s2  }
0x1e: {  	s7 =	smul.u32 @!p0 $0xF7A, s2;
	p2 =	seq.s32 @!p0 s5, $0x0  }
0x1f: {  	s9 =	smul.u32 $0xF7A, s1;
	s8 =	simm.s32 @!p0 $0x1BF5;
	p2 =	por !p2, p0  }
0x20: {  	[sflag:s8] =	ssyncset.s32 @!p0 $0xFFFFF086;
	s6 =	sadd.s32 @!p0 s3, s7;
	s7 =	simm.s32 @!p0 $0x108  }
0x21: {  	s3 =	sadd.s32 s3, s9;
	s6 =	sadd.s32 @!p0 $0x88, s6;
	s7 =	simm.s32 @p2 $0x1082  }
0x22: {  	[simem:s7], [sflag:s8] =	dma.local @!p0 [hbm:s6], $0xF7A  }
0x23: {  	s9 =	sor.u32 $0xD0000000, s2;
	s6 =	simm.s32 $0x108;
	_ =	swait.ge @!p0 [sflag:s8], $0x0  }
0x24: {  	s3 =	sadd.s32 $0x88, s3;
	s6 =	simm.s32 @!p1 $0x1082;
	[sflag:s4] =	ssyncset.s32 $0xFFFFF086  }
0x25: {  	[simem:s6], [sflag:s4] =	dma.local [hbm:s3], $0xF7A  }
0x26: {  	[smem:$0x3F99] =	sst s1;
	(tag) =	ssettag s2;
	_ =	strace s9  }
0x27: {  	s1 =	sld [smem:$0x3FA9]  }
0x28: {  	s2 =	sld [smem:$0x3FAA]  }
0x29: {  	s4 =	sld [smem:$0x3FAC]  }
0x2a: {  	p0 =	seq.s32 s5, $0x0;
	s5 =	sld [smem:$0x3FAD]  }
0x2b: {  	s6 =	sld [smem:$0x3FAE]  }
0x2c: {  	s7 =	sld [smem:$0x3FAF]  }
0x2d: {  	s3 =	simm.s32 $0x108;
	s8 =	sld [smem:$0x3FB0]  }
0x2e: {  	s3 =	simm.s32 @!p0 $0x1082;
	s9 =	sld [smem:$0x3FB1]  }
0x2f: {  	lr =	sadd.s32 s0, s3;
	s0 =	sld [smem:$0x3FA8]  }
0x30: {  	s3 =	sld [smem:$0x3FAB]  }
0x31: {  	[smem:$0x3FB4] =	sst s10  }
0x32: {  	s10 =	sld [smem:$0x3FB2];
	_ =	sdelay $0x3  }
0x33: {  	p0 =	seq.s32 s10, $0x1;
	s10 =	sld [smem:$0x3FB4];
	_ =	sdelay $0x3  }
0x34: {  	[smem:$0x3FB4] =	sst s10  }
0x35: {  	s10 =	sld [smem:$0x3FB3];
	_ =	sdelay $0x3  }
0x36: {  	p1 =	seq.s32 s10, $0x1;
	s10 =	sld [smem:$0x3FB4];
	_ =	sdelay $0x3  }
0x37: {  	[smem:$0x3FB4] =	sst s10  }
0x38: {  	s10 =	sld [smem:$0x3FB5]  }
0x39: {  	_ = 	snop;
	(pc) =	sbr.ind lr, $3  }
0x3a: {  	_ = 	snop  }
0x3b: {  	_ = 	snop  }
0x3c: {  	p2 =	seq.s32 s10, $0x1;
	s10 =	sld [smem:$0x3FB4]  }
0x3d: {  	_ =	shalt  }
0x3e: {  	_ =	shalt  }
0x3f: {  	_ =	shalt  }
0x40: {  	_ =	shalt  }
0x41: {  	_ =	shalt  }
0x42: {  	_ =	shalt  }
0x43: {  	_ =	shalt  }
0x44: {  	_ =	shalt  }
0x45: {  	_ =	shalt  }
0x46: {  	_ =	shalt  }
0x47: {  	_ =	shalt  }
0x48: {  	_ =	shalt  }
0x49: {  	_ =	shalt  }
0x4a: {  	_ =	shalt  }
0x4b: {  	_ =	shalt  }
0x4c: {  	_ =	shalt  }
0x4d: {  	_ =	shalt  }
0x4e: {  	_ =	shalt  }
0x4f: {  	_ =	shalt  }
0x50: {  	_ =	shalt  }
0x51: {  	_ =	shalt  }
0x52: {  	_ =	shalt  }
0x53: {  	_ =	shalt  }
0x54: {  	_ =	shalt  }
0x55: {  	_ =	shalt  }
0x56: {  	_ =	shalt  }
0x57: {  	_ =	shalt  }
0x58: {  	_ =	shalt  }
0x59: {  	_ =	shalt  }
0x5a: {  	_ =	shalt  }
0x5b: {  	_ =	shalt  }
0x5c: {  	_ =	shalt  }
0x5d: {  	_ =	shalt  }
0x5e: {  	_ =	shalt  }
0x5f: {  	_ =	shalt  }
0x60: {  	_ =	shalt  }
0x61: {  	_ =	shalt  }
0x62: {  	_ =	shalt  }
0x63: {  	_ =	shalt  }
0x64: {  	_ =	shalt  }
0x65: {  	_ =	shalt  }
0x66: {  	_ =	shalt  }
0x67: {  	_ =	shalt  }
0x68: {  	_ =	shalt  }
0x69: {  	_ =	shalt  }
0x6a: {  	_ =	shalt  }
0x6b: {  	_ =	shalt  }
0x6c: {  	_ =	shalt  }
0x6d: {  	_ =	shalt  }
0x6e: {  	_ =	shalt  }
0x6f: {  	_ =	shalt  }
0x70: {  	_ =	shalt  }
0x71: {  	_ =	shalt  }
0x72: {  	_ =	shalt  }
0x73: {  	_ =	shalt  }
0x74: {  	_ =	shalt  }
0x75: {  	_ =	shalt  }
0x76: {  	_ =	shalt  }
0x77: {  	_ =	shalt  }
0x78: {  	_ =	shalt  }
0x79: {  	_ =	shalt  }
0x7a: {  	_ =	shalt  }
0x7b: {  	_ =	shalt  }
0x7c: {  	_ =	shalt  }
0x7d: {  	_ =	shalt  }
0x7e: {  	_ =	shalt  }
0x7f: {  	_ =	shalt  }
0x80: {  	_ =	shalt  }
0x81: {  	_ =	shalt  }
0x82: {  	_ =	shalt  }
0x83: {  	_ =	shalt  }
0x84: {  	_ =	shalt  }
0x85: {  	_ =	shalt  }
0x86: {  	_ =	shalt  }
0x87: {  	_ =	shalt  }
.Lfunc_end0:
.L_simem_size_0:
called_computation.1_lowered:
.L_overlay_start_0:
0x88: {  	s2 =	sld [smem:$0x3FD9]  }
0x89: {  	s3 =	sld [smem:$0x3FFE];
	_ =	sdelay $0x1  }
0x8a: {  	s1 =	srdreg.scid  }
0x8b: {  	s0 =	sand.u32 $0x1, s1  }
0x8c: {  	s16 =	sshll.u32 s0, $0xA;
	s2 =	sadd.s32 s3, s2  }
0x8d: {  	s2 =	sadd.s32 s2, s16  }
0x8e: {  	[smem:$0x3FC0] =	sst s2  }
0x8f: {  	_ = 	snop  }
0x90: {  	(tm) =	ssettm $0x1  }
0x91: {  	s17 =	sld [smem:$0x3FFB];
	_ =	sdelay $0x3  }
0x92: {  	_ =	strace s17  }
0x93: {  	s2 =	sld [smem:$0x3FFC];
	_ =	sdelay $0x3  }
0x94: {  	_ =	strace s2  }
0x95: {  	s2 =	sld [smem:$0x3FFD];
	_ =	sdelay $0x3  }
0x96: {  	_ =	strace s2  }
0x97: {  	_ =	strace $0x8FFFFFFF  }
0x98: {  	s18 =	sld [smem:$0x3FDB];
	_ =	sdelay $0x1  }
0x99: {  	s19 =	simm.s32 $_scs_section_size  }
0x9a: {  	s4 =	simm.s32 $_size__tile_overlayer_lowered;
	s5 =	simm.s32 $_tile_overlayer_lowered  }
0x9b: {  	s22 =	simm.s32 $0x1BFF;
	s21 =	sshll.u32 s5, $0x1;
	s2 =	sadd.s32 s19, s18  }
0x9c: {  	s6 =	simm.s32 $0x0;
	s20 =	sshll.u32 s4, $0x1;
	s4 =	sadd.s32 s21, s2  }
0x9d: {  	[timem:s6], [sflag:s22] =	dma.local [hbm:s4], s20  }
0x9e: {  	_ =	swait.ge [sflag:s22], s20  }
0x9f: {  	s3 =	ssub.s32 $0x0, s20;
	[sflag:s22] =	ssyncset.done $0x0  }
0xa0: {  	[sflag:s22] =	ssyncadd.s32 s3;
	_ =	sdelay $0x1  }
0xa1: {  	s23 =	simm.s32 $0x1B8B  }
0xa2: {  	_ =	swait.ge [sflag:s23], $0x1  }
0xa3: {  	[sflag:s23] =	ssyncset.done $0x0  }
0xa4: {  	s25 =	simm.s32 $0x1B8E;
	s24 =	sld [smem:$0x3FFE];
	[sflag:s23] =	ssyncadd.s32 $0xFFFFFFFF  }
0xa5: {  	s26 =	simm.s32 $execute0_lowered;
	[smem:$0x3FD2] =	sst s25  }
0xa6: {  	s4 =	sshll.u32 s26, $0x1;
	_ =	strace $0x80000049;
	[dreg:$0x1] =	wrdreg $0xFFFFFFFF  }
0xa7: {  	s28 =	simm.s32 $_size_execute0_lowered;
	s2 =	sadd.s32 s2, s4;
	[dreg:$0x0] =	wrdreg $0x0  }
0xa8: {  	s4 =	sshll.u32 s28, $0x1;
	[dreg:$0x2] =	wrdreg s2  }
0xa9: {  	[dreg:$0x3] =	wrdreg s4  }
0xaa: {  	[dreg:$0x4] =	wrdreg $0xC0  }
0xab: {  	_ =	task [dreg:s6], $0x5FFFF  }
0xac: {  	[dreg:$0x1] =	wrdreg $0xFFFFFFFF  }
0xad: {  	[dreg:$0x0] =	wrdreg $0x60  }
0xae: {  	[dreg:$0x2] =	wrdreg s24  }
0xaf: {  	[dreg:$0x3] =	wrdreg $0xB0000  }
0xb0: {  	[dreg:$0x4] =	wrdreg $0x9  }
0xb1: {  	_ =	task.clear_ibuf [dreg:s6], $0x5FFFF;
	_ =	strace $0x90000049  }
0xb2: {  	s29 =	simm.s32 $0x9;
	_ =	strace $0x8000004B  }
0xb3: {  	_ =	swait.ge [sflag:s29], $0x1  }
0xb4: {  	[sflag:s29] =	ssyncadd.s32 $0xFFFFFFFF  }
0xb5: {  	_ =	strace $0x9000004B  }
0xb6: {  	_ =	sfence  }
0xb7: {  	s30 =	sld [smem:$0x0];
	_ =	sdelay $0x2  }
0xb8: {  	s31 =	sshll.u32 s1, $0xD;
	s1 =	sshrl.u32 s1, $0x2  }
0xb9: {  	s3 =	sand.u32 $0x4000, s31;
	s1 =	sadd.s32 s1, s30  }
0xba: {  	s0 =	sor.u32 s3, s0;
	s1 =	sshll.u32 s1, $0x11  }
0xbb: {  	s0 =	sor.u32 s1, s0  }
0xbc: {  	s0 =	sadd.s32 $0x8F2B, s0  }
0xbd: {  	[sflag:s0] =	ssyncadd.remote.s32 $0x1  }
0xbe: {  	_ =	sfence.sel $0xFFFF  }
0xbf: {  	[dreg:$0x0] =	wrdreg $0xFFFFFFFF;
	(pc) =	sbr.abs _section_cstart, $3  }
0xc0: {  	[dreg:$0x1] =	wrdreg $0xFFFFFFFF  }
0xc1: {  	_ =	task.clear_ibuf [dreg:s6], $0x2FFFF;
	_ =	strace $0x9FFFFFFF  }
0xc2: {  	(tm) =	ssettm $0x7FFFFFFF  }
0xc3: {  	_ =	shalt  }
tec
execute0_lowered:
.L_overlay_start_1:
0x0: {  	(tag) =	ssettag $0x1  }
0x1: {  	s0 =	rddreg [dreg:$0x0]  }
0x2: {  	s2 =	rddreg [dreg:$0x1]  }
0x3: {  	s3 =	srdreg.scid;
	s1 =	stileid.u32  }
0x4: {  	s14 =	simm.s32 $0x3;
	s15 =	simm.s32 $0x2800;
	s16 =	simm.s32 $0x5000  }
0x5: {  	s17 =	simm.s32 $0x80;
	s18 =	simm.s32 $0x7000;
	s19 =	simm.s32 $0x1  }
0x6: {  	s20 =	simm.s32 $0x100;
	s21 =	simm.s32 $0x9000;
	s22 =	simm.s32 $0x2880  }
0x7: {  	s23 =	simm.s32 $0x2;
	s24 =	simm.s32 $0x180;
	s25 =	simm.s32 $0x4E80  }
0x8: {  	s26 =	simm.s32 $0x2780;
	s28 =	simm.s32 $0x4F00;
	s29 =	simm.s32 $0x4F80  }
0x9: {  	s30 =	simm.s32 $0x0;
	s5 =	sand.u32 $0x1, s3;
	s7 =	smul.u32 $0xA000, s1  }
0xa: {  	s3 =	simm.s32 $0x0;
	s9 =	smul.u32 $0x28000, s1;
	s4 =	sshll.u32 s5, $0x4  }
0xb: {  	[smem:$0x7FF] =	sst s3;
	s6 =	smul.u32 $0xA0000, s5;
	s5 =	ssub.s32 $0x2, s5  }
0xc: {  	s4 =	sor.u32 s1, s4;
	_ =	strace $0x8000004A;
	s31 =	sshrl.u32 s5, $0x1  }
0xd: {  	s9 =	sshrl.u32 s9, $0x2;
	s8 =	smul.u32 $0x500, s4;
	s4 =	sadd.s32 $0x35000, s0  }
0xe: {  	s6 =	sadd.s32 s7, s6;
	s13 =	ssub.s32 s5, s31;
	s11 =	sadd.s32 s9, s2  }
0xf: {  	s7 =	sadd.s32 s7, s2;
	s6 =	sshrl.u32 s6, $0x3;
	s9 =	sadd.s32 $0x4000, s11  }
0x10: {  	s10 =	sadd.s32 $0x6000, s11;
	s13 =	smax.u32 s13, $0x1;
	s8 =	sadd.s32 s8, s0  }
0x11: {  	s0 =	sadd.s32 s6, s0;
	s5 =	sadd.s32 $0x21000, s8;
	s6 =	sadd.s32 $0x2B000, s8  }
0x12: {  	v0 =	vimm.f32 $0.0e+00;
	s8 =	sadd.s32 $0x2000, s11;
	s11 =	sadd.s32 $0x8000, s11;
	s12 =	sadd.s32 $0x49000, s0  }
.LBB2_1:
0x13: {  	[tilespmem:s3], [sflag:$0x3] =	stream.linear.gather [hbm4b:s5+s3], $0x2800, $0x38;
	[tilespmem:$0x15000] =	vst v63  }
0x14: {  	_ =	swait.ge [sflag:s14], $0x2800  }
0x15: {  	[sflag:s14] =	ssyncset.done $0x0  }
0x16: {  	[sflag:s14] =	ssyncadd.s32 $0xFFFFD800  }
0x17: {  	[tilespmem:s15], [sflag:$0x3] =	stream.linear.gather [hbm4b:s6+s3], $0x2800, $0x38;
	[tilespmem:$0x15000] =	vst v63  }
0x18: {  	_ =	swait.ge [sflag:s14], $0x2800  }
0x19: {  	[sflag:s14] =	ssyncset.done $0x0  }
0x1a: {  	s31 =	simm.s32 $0x10;
	s0 =	sand.u32 $0x1FF0, s3;
	[sflag:s14] =	ssyncadd.s32 $0xFFFFD800  }
.LBB2_2:
0x1b: {  	p0 =	sne.s32 s31, $0x1FF0;
	[tilespmem:s0+$0x5000] =	vst v0;
	s0 =	smov.u32 s31;
	s31 =	sadd.s32 $0x10, s31  }
.Ltmp0:
0x1c: {  	(pc) =	sbr.rel @p0 .LBB2_2-.Ltmp0, $2  }
0x1d: {  	_ =	sdelay $0x2  }
0x1e: {  	s0 =	sand.u32 $0x1FF0, s0  }
0x1f: {  	[tilespmem:s0+$0x5000] =	vst v0  }
0x20: {  	[spmem:s7] =	stream.linear.scatter [tilespmem:s16], [sflag:$0x3], $0x2000, $0x38;
	[tilespmem:$0x15000] =	vst v63  }
0x21: {  	_ =	swait.ge [sflag:s14], $0x2000  }
0x22: {  	[sflag:s14] =	ssyncset.done $0x0  }
0x23: {  	[sflag:s14] =	ssyncadd.s32 $0xFFFFE000  }
0x24: {  	[spmem:s8] =	stream.linear.scatter [tilespmem:s16], [sflag:$0x3], $0x2000, $0x38;
	[tilespmem:$0x15000] =	vst v63  }
0x25: {  	_ =	swait.ge [sflag:s14], $0x2000  }
0x26: {  	[sflag:s14] =	ssyncset.done $0x0  }
0x27: {  	[sflag:s14] =	ssyncadd.s32 $0xFFFFE000  }
0x28: {  	[spmem:s9] =	stream.linear.scatter [tilespmem:s16], [sflag:$0x3], $0x2000, $0x38;
	[tilespmem:$0x15000] =	vst v63  }
0x29: {  	_ =	swait.ge [sflag:s14], $0x2000  }
0x2a: {  	[sflag:s14] =	ssyncset.done $0x0  }
0x2b: {  	[sflag:s14] =	ssyncadd.s32 $0xFFFFE000  }
0x2c: {  	[spmem:s10] =	stream.linear.scatter [tilespmem:s16], [sflag:$0x3], $0x2000, $0x38;
	[tilespmem:$0x15000] =	vst v63  }
0x2d: {  	_ =	swait.ge [sflag:s14], $0x2000  }
0x2e: {  	[sflag:s14] =	ssyncset.done $0x0  }
0x2f: {  	[sflag:s14] =	ssyncadd.s32 $0xFFFFE000  }
0x30: {  	[spmem:s11] =	stream.linear.scatter [tilespmem:s16], [sflag:$0x3], $0x2000, $0x38;
	[tilespmem:$0x15000] =	vst v63  }
0x31: {  	_ =	swait.ge [sflag:s14], $0x2000  }
0x32: {  	[sflag:s14] =	ssyncset.done $0x0  }
0x33: {  	s1 =	simm.s32 $0x0;
	[sflag:s14] =	ssyncadd.s32 $0xFFFFE000  }
0x34: {  	[tilespmem:s16], [sflag:$0x1] =	stream.indirect.gather [hbm4b:s4+s17], $0x40, s1, s17, $0xb8;
	[tilespmem:$0x15000] =	vst v63  }
0x35: {  	_ = 	snop  }
0x36: {  	[tilespmem:s18], [sflag:$0x1] =	stream.indirect.gather [hbm4b:s4+s17], $0x40, s17, s17, $0xb8;
	[tilespmem:$0x15000] =	vst v63  }
0x37: {  	[bflag:$0x0] =	sbarrier.arrive $0xFFFF  }
0x38: {  	_ =	swait.ge [sflag:s19], $0x2000  }
0x39: {  	[sflag:s19] =	ssyncset.done $0x0  }
0x3a: {  	[sflag:s19] =	ssyncadd.s32 $0xFFFFE000  }
0x3b: {  	[spmem:s2] =	stream.indirect.scatter.add.f32 [tilespmem:s16], [sflag:$0x2], $0x40, s15, s17, $0xb8;
	[tilespmem:$0x15000] =	vst v63  }
0x3c: {  	_ = 	snop  }
0x3d: {  	[tilespmem:s21], [sflag:$0x1] =	stream.indirect.gather [hbm4b:s4+s17], $0x40, s20, s17, $0xb8;
	[tilespmem:$0x15000] =	vst v63  }
0x3e: {  	_ =	swait.ge [sflag:s19], $0x2000  }
0x3f: {  	[sflag:s19] =	ssyncset.done $0x0  }
0x40: {  	[sflag:s19] =	ssyncadd.s32 $0xFFFFE000  }
0x41: {  	[spmem:s2] =	stream.indirect.scatter.add.f32 [tilespmem:s18], [sflag:$0x2], $0x40, s22, s17, $0xb8;
	[tilespmem:$0x15000] =	vst v63  }
0x42: {  	_ =	swait.ge [sflag:s23], $0x2000  }
0x43: {  	[sflag:s23] =	ssyncset.done $0x0  }
0x44: {  	[sflag:s23] =	ssyncadd.s32 $0xFFFFE000  }
0x45: {  	[tilespmem:s16], [sflag:$0x1] =	stream.indirect.gather [hbm4b:s4+s17], $0x40, s24, s17, $0xb8;
	[tilespmem:$0x15000] =	vst v63  }
0x46: {  	_ =	swait.ge [sflag:s19], $0x2000  }
0x47: {  	[sflag:s19] =	ssyncset.done $0x0  }
0x48: {  	s1 =	simm.s32 $0x2900;
	[sflag:s19] =	ssyncadd.s32 $0xFFFFE000  }
0x49: {  	[spmem:s2] =	stream.indirect.scatter.add.f32 [tilespmem:s21], [sflag:$0x2], $0x40, s1, s17, $0xb8;
	[tilespmem:$0x15000] =	vst v63  }
0x4a: {  	_ =	swait.ge [sflag:s23], $0x2000  }
0x4b: {  	[sflag:s23] =	ssyncset.done $0x0  }
0x4c: {  	s1 =	simm.s32 $0x200;
	[sflag:s23] =	ssyncadd.s32 $0xFFFFE000  }
0x4d: {  	[tilespmem:s18], [sflag:$0x1] =	stream.indirect.gather [hbm4b:s4+s17], $0x40, s1, s17, $0xb8;
	[tilespmem:$0x15000] =	vst v63  }
0x4e: {  	_ =	swait.ge [sflag:s19], $0x2000  }
0x4f: {  	[sflag:s19] =	ssyncset.done $0x0  }
0x50: {  	s1 =	simm.s32 $0x2980;
	[sflag:s19] =	ssyncadd.s32 $0xFFFFE000  }
0x51: {  	[spmem:s2] =	stream.indirect.scatter.add.f32 [tilespmem:s16], [sflag:$0x2], $0x40, s1, s17, $0xb8;
	[tilespmem:$0x15000] =	vst v63  }
0x52: {  	_ =	swait.ge [sflag:s23], $0x2000  }
0x53: {  	[sflag:s23] =	ssyncset.done $0x0  }
0x54: {  	s1 =	simm.s32 $0x280;
	[sflag:s23] =	ssyncadd.s32 $0xFFFFE000  }
0x55: {  	[tilespmem:s21], [sflag:$0x1] =	stream.indirect.gather [hbm4b:s4+s17], $0x40, s1, s17, $0xb8;
	[tilespmem:$0x15000] =	vst v63  }
0x56: {  	_ =	swait.ge [sflag:s19], $0x2000  }
0x57: {  	[sflag:s19] =	ssyncset.done $0x0  }
0x58: {  	s1 =	simm.s32 $0x2A00;
	[sflag:s19] =	ssyncadd.s32 $0xFFFFE000  }
0x59: {  	[spmem:s2] =	stream.indirect.scatter.add.f32 [tilespmem:s18], [sflag:$0x2], $0x40, s1, s17, $0xb8;
	[tilespmem:$0x15000] =	vst v63  }
0x5a: {  	_ =	swait.ge [sflag:s23], $0x2000  }
0x5b: {  	[sflag:s23] =	ssyncset.done $0x0  }
0x5c: {  	s31 =	simm.s32 $0x600;
	s0 =	simm.s32 $0x300;
	[sflag:s23] =	ssyncadd.s32 $0xFFFFE000  }
.LBB2_4:
0x5d: {  	[tilespmem:s16], [sflag:$0x1] =	stream.indirect.gather [hbm4b:s4+s17], $0x40, s0, s17, $0xb8;
	[tilespmem:$0x15000] =	vst v63  }
0x5e: {  	s0 =	smov.u32 s31  }
0x5f: {  	p0 =	sne.s32 s31, $0x9000;
	s31 =	sadd.s32 $0x600, s31;
	_ =	swait.ge [sflag:s19], $0x2000  }
0x60: {  	s0 =	sshra.s32 s0, $0x2;
	[sflag:s19] =	ssyncset.done $0x0  }
0x61: {  	s1 =	sadd.s32 $0x2900, s0;
	[sflag:s19] =	ssyncadd.s32 $0xFFFFE000  }
0x62: {  	[spmem:s2] =	stream.indirect.scatter.add.f32 [tilespmem:s21], [sflag:$0x2], $0x40, s1, s17, $0xb8;
	[tilespmem:$0x15000] =	vst v63  }
0x63: {  	_ =	swait.ge [sflag:s23], $0x2000  }
0x64: {  	[sflag:s23] =	ssyncset.done $0x0  }
0x65: {  	s1 =	sadd.s32 $0x200, s0;
	[sflag:s23] =	ssyncadd.s32 $0xFFFFE000  }
0x66: {  	[tilespmem:s18], [sflag:$0x1] =	stream.indirect.gather [hbm4b:s4+s17], $0x40, s1, s17, $0xb8;
	[tilespmem:$0x15000] =	vst v63  }
0x67: {  	_ =	swait.ge [sflag:s19], $0x2000  }
0x68: {  	[sflag:s19] =	ssyncset.done $0x0  }
0x69: {  	s1 =	sadd.s32 $0x2980, s0;
	[sflag:s19] =	ssyncadd.s32 $0xFFFFE000  }
0x6a: {  	[spmem:s2] =	stream.indirect.scatter.add.f32 [tilespmem:s16], [sflag:$0x2], $0x40, s1, s17, $0xb8;
	[tilespmem:$0x15000] =	vst v63  }
0x6b: {  	_ =	swait.ge [sflag:s23], $0x2000  }
0x6c: {  	[sflag:s23] =	ssyncset.done $0x0  }
0x6d: {  	s1 =	sadd.s32 $0x280, s0;
	[sflag:s23] =	ssyncadd.s32 $0xFFFFE000  }
0x6e: {  	[tilespmem:s21], [sflag:$0x1] =	stream.indirect.gather [hbm4b:s4+s17], $0x40, s1, s17, $0xb8;
	[tilespmem:$0x15000] =	vst v63  }
0x6f: {  	_ =	swait.ge [sflag:s19], $0x2000  }
0x70: {  	[sflag:s19] =	ssyncset.done $0x0  }
.Ltmp1:
0x71: {  	s1 =	sadd.s32 $0x2A00, s0;
	[sflag:s19] =	ssyncadd.s32 $0xFFFFE000;
	(pc) =	sbr.rel @p0 .LBB2_4-.Ltmp1, $4  }
0x72: {  	[spmem:s2] =	stream.indirect.scatter.add.f32 [tilespmem:s18], [sflag:$0x2], $0x40, s1, s17, $0xb8;
	[tilespmem:$0x15000] =	vst v63  }
0x73: {  	_ =	swait.ge [sflag:s23], $0x2000  }
0x74: {  	[sflag:s23] =	ssyncset.done $0x0  }
0x75: {  	s0 =	sadd.s32 $0x300, s0;
	[sflag:s23] =	ssyncadd.s32 $0xFFFFE000  }
0x76: {  	[tilespmem:s16], [sflag:$0x1] =	stream.indirect.gather [hbm4b:s4+s17], $0x40, s0, s17, $0xb8;
	[tilespmem:$0x15000] =	vst v63  }
0x77: {  	_ =	swait.ge [sflag:s19], $0x2000  }
0x78: {  	[sflag:s19] =	ssyncset.done $0x0  }
0x79: {  	[sflag:s19] =	ssyncadd.s32 $0xFFFFE000  }
0x7a: {  	[spmem:s2] =	stream.indirect.scatter.add.f32 [tilespmem:s21], [sflag:$0x2], $0x40, s25, s17, $0xb8;
	[tilespmem:$0x15000] =	vst v63  }
0x7b: {  	_ =	swait.ge [sflag:s23], $0x2000  }
0x7c: {  	[sflag:s23] =	ssyncset.done $0x0  }
0x7d: {  	[sflag:s23] =	ssyncadd.s32 $0xFFFFE000  }
0x7e: {  	[tilespmem:s18], [sflag:$0x1] =	stream.indirect.gather [hbm4b:s4+s17], $0x40, s26, s17, $0xb8;
	[tilespmem:$0x15000] =	vst v63  }
0x7f: {  	_ =	swait.ge [sflag:s19], $0x2000  }
0x80: {  	[sflag:s19] =	ssyncset.done $0x0  }
0x81: {  	[sflag:s19] =	ssyncadd.s32 $0xFFFFE000  }
0x82: {  	[spmem:s2] =	stream.indirect.scatter.add.f32 [tilespmem:s16], [sflag:$0x2], $0x40, s28, s17, $0xb8;
	[tilespmem:$0x15000] =	vst v63  }
0x83: {  	_ =	swait.ge [sflag:s23], $0x2000  }
0x84: {  	[sflag:s23] =	ssyncset.done $0x0  }
0x85: {  	[sflag:s23] =	ssyncadd.s32 $0xFFFFE000  }
0x86: {  	_ =	swait.ge [sflag:s19], $0x2000  }
0x87: {  	[sflag:s19] =	ssyncset.done $0x0  }
0x88: {  	[sflag:s19] =	ssyncadd.s32 $0xFFFFE000  }
0x89: {  	[spmem:s2] =	stream.indirect.scatter.add.f32 [tilespmem:s18], [sflag:$0x2], $0x40, s29, s17, $0xb8;
	[tilespmem:$0x15000] =	vst v63  }
0x8a: {  	_ =	swait.ge [sflag:s23], $0x2000  }
0x8b: {  	[sflag:s23] =	ssyncset.done $0x0  }
0x8c: {  	[sflag:s23] =	ssyncadd.s32 $0xFFFFE000  }
0x8d: {  	s31 =	stileid.u32;
	_ =	swait.ge [sflag:s23], $0x2000  }
0x8e: {  	s1 =	sshrl.u32 s7, $0x3;
	s30 =	sadd.s32 $0x1, s30;
	[sflag:s23] =	ssyncset.done $0x0  }
0x8f: {  	s0 =	sshll.u32 s31, $0x6;
	p0 =	sne.s32 s30, s13;
	[sflag:s23] =	ssyncadd.s32 $0xFFFFE000  }
.Ltmp2:
0x90: {  	s0 =	sor.u32 $0x1C03, s0;
	[bflag:$0x0] =	sbarrier.arrive $0xFFFF;
	(pc) =	sbr.rel @p0 .LBB2_1-.Ltmp2, $4  }
0x91: {  	[hbm:s12], [sflag:s0] =	dma.local [spmem:s1], $0x1400  }
0x92: {  	_ =	swait.ge [sflag:s14], $0x1400  }
0x93: {  	[sflag:s14] =	ssyncset.done $0x0  }
0x94: {  	[sflag:s14] =	ssyncadd.s32 $0xFFFFEC00  }
0x95: {  	_ =	sfence.sel $0x180000  }
0x96: {  	[bflag:$0x0] =	sbarrier.arrive $0xFFFF  }
0x97: {  	_ =	strace $0x9000004A  }
0x98: {  	s0 =	stileid.u32;
	[bflag:$0x2] =	sbarrier.arrive $0xFFFF  }
0x99: {  	p0 =	sne.s32 s0, $0x0;
	s0 =	rddreg [dreg:$0x2]  }
0x9a: {  	s0 =	sadd.s32 @!p0 $0x100000, s0  }
0x9b: {  	[sflag:s0] =	ssyncadd.tile.s32 @!p0 $0x1;
	_ =	shalt  }
.Lfunc_end2:
_tile_overlayer_lowered:
.L_overlay_start_2:
0x9c: {  	(tag) =	ssettag $0x2  }
0x9d: {  	s0 =	rddreg [dreg:$0x0];
	s2 =	stileid.u32  }
0x9e: {  	s1 =	rddreg [dreg:$0x1];
	p0 =	sne.s32 s2, $0x0  }
0x9f: {  	s3 =	rddreg [dreg:$0x2];
	[bflag:$0x3] =	sbarrier.arrive $0xFFFF;
	s2 =	simm.s32 @!p0 $0x1C03  }
0xa0: {  	[timem:s3], [sflag:s2] =	dma.local @!p0 [hbm:s0], s1  }
0xa1: {  	s0 =	simm.s32 @!p0 $0x3  }
0xa2: {  	_ =	swait.ge @!p0 [sflag:s0], s1  }
0xa3: {  	s1 =	ssub.s32 @!p0 $0x0, s1;
	[sflag:s0] =	ssyncset.done @!p0 $0x0  }
0xa4: {  	[sflag:s0] =	ssyncadd.s32 @!p0 s1  }
0xa5: {  	[bflag:$0x3] =	sbarrier.arrive $0xFFFF  }
0xa6: {  	_ =	shalt  }

// kernel: kernel.18.cloned.1.call-start
scs
__scs_entry_jumppad:
0x0: {  	(pc) =	sbr.rel $0x88, $3  }
0x1: {  	(tag) =	ssettag $0x0;
	lr =	simm.s32 $0x1  }
0x2: {  	[smem:$0x3F99] =	sst lr;
	_ =	strace $0xD0000000  }
0x3: {  	_ = 	snop  }
0x4: {  	_ = 	snop  }
0x5: {  	_ = 	snop  }
0x6: {  	_ = 	snop  }
0x7: {  	_ = 	snop  }
__scs_overlays_trampoline_lowered:
0x8: {  	[smem:$0x3FA8] =	sst s0  }
0x9: {  	[smem:$0x3FA9] =	sst s1  }
0xa: {  	[smem:$0x3FAA] =	sst s2  }
0xb: {  	[smem:$0x3FAB] =	sst s3  }
0xc: {  	[smem:$0x3FAC] =	sst s4  }
0xd: {  	[smem:$0x3FAD] =	sst s5  }
0xe: {  	[smem:$0x3FAE] =	sst s6  }
0xf: {  	[smem:$0x3FAF] =	sst s7  }
0x10: {  	[smem:$0x3FB0] =	sst s8  }
0x11: {  	[smem:$0x3FB1] =	sst s9;
	s0 =	simm.s32 @!p0 $0x0  }
0x12: {  	s1 =	sld [smem:$0x3F97];
	s0 =	simm.s32 @p0 $0x1  }
0x13: {  	[smem:$0x3FB2] =	sst s0;
	s0 =	simm.s32 @!p1 $0x0  }
0x14: {  	s2 =	sld [smem:$0x3F96];
	s0 =	simm.s32 @p1 $0x1  }
0x15: {  	[smem:$0x3FB3] =	sst s0;
	s0 =	simm.s32 @!p2 $0x0  }
0x16: {  	s3 =	sld [smem:$0x3FDB];
	s0 =	simm.s32 @p2 $0x1  }
0x17: {  	s4 =	simm.s32 $0x1BF5;
	[smem:$0x3FB5] =	sst s0  }
0x18: {  	s0 =	sld [smem:$0x3F98];
	_ =	swait.ge [sflag:s4], $0x0  }
0x19: {  	s7 =	sld [smem:$0x3F99]  }
0x1a: {  	s8 =	sadd.s32 $0xFFFFE003, lr  }
0x1b: {  	s9 =	sadd.s32 $0xFFFFFEF7, lr;
	s5 =	simm.s32 $0xFFFFFFFF;
	p2 =	slt.u32 s8, $0xFFFFF086  }
0x1c: {  	p1 =	slt.u32 s9, $0xF7A;
	s5 =	simm.s32 @!p2 $0x0  }
0x1d: {  	s5 =	simm.s32 @p1 $0x1;
	p0 =	seq.s32 s7, s2  }
0x1e: {  	s7 =	smul.u32 @!p0 $0xF7A, s2;
	p2 =	seq.s32 @!p0 s5, $0x0  }
0x1f: {  	s9 =	smul.u32 $0xF7A, s1;
	s8 =	simm.s32 @!p0 $0x1BF5;
	p2 =	por !p2, p0  }
0x20: {  	[sflag:s8] =	ssyncset.s32 @!p0 $0xFFFFF086;
	s6 =	sadd.s32 @!p0 s3, s7;
	s7 =	simm.s32 @!p0 $0x108  }
0x21: {  	s3 =	sadd.s32 s3, s9;
	s6 =	sadd.s32 @!p0 $0x88, s6;
	s7 =	simm.s32 @p2 $0x1082  }
0x22: {  	[simem:s7], [sflag:s8] =	dma.local @!p0 [hbm:s6], $0xF7A  }
0x23: {  	s9 =	sor.u32 $0xD0000000, s2;
	s6 =	simm.s32 $0x108;
	_ =	swait.ge @!p0 [sflag:s8], $0x0  }
0x24: {  	s3 =	sadd.s32 $0x88, s3;
	s6 =	simm.s32 @!p1 $0x1082;
	[sflag:s4] =	ssyncset.s32 $0xFFFFF086  }
0x25: {  	[simem:s6], [sflag:s4] =	dma.local [hbm:s3], $0xF7A  }
0x26: {  	[smem:$0x3F99] =	sst s1;
	(tag) =	ssettag s2;
	_ =	strace s9  }
0x27: {  	s1 =	sld [smem:$0x3FA9]  }
0x28: {  	s2 =	sld [smem:$0x3FAA]  }
0x29: {  	s4 =	sld [smem:$0x3FAC]  }
0x2a: {  	p0 =	seq.s32 s5, $0x0;
	s5 =	sld [smem:$0x3FAD]  }
0x2b: {  	s6 =	sld [smem:$0x3FAE]  }
0x2c: {  	s7 =	sld [smem:$0x3FAF]  }
0x2d: {  	s3 =	simm.s32 $0x108;
	s8 =	sld [smem:$0x3FB0]  }
0x2e: {  	s3 =	simm.s32 @!p0 $0x1082;
	s9 =	sld [smem:$0x3FB1]  }
0x2f: {  	lr =	sadd.s32 s0, s3;
	s0 =	sld [smem:$0x3FA8]  }
0x30: {  	s3 =	sld [smem:$0x3FAB]  }
0x31: {  	[smem:$0x3FB4] =	sst s10  }
0x32: {  	s10 =	sld [smem:$0x3FB2];
	_ =	sdelay $0x3  }
0x33: {  	p0 =	seq.s32 s10, $0x1;
	s10 =	sld [smem:$0x3FB4];
	_ =	sdelay $0x3  }
0x34: {  	[smem:$0x3FB4] =	sst s10  }
0x35: {  	s10 =	sld [smem:$0x3FB3];
	_ =	sdelay $0x3  }
0x36: {  	p1 =	seq.s32 s10, $0x1;
	s10 =	sld [smem:$0x3FB4];
	_ =	sdelay $0x3  }
0x37: {  	[smem:$0x3FB4] =	sst s10  }
0x38: {  	s10 =	sld [smem:$0x3FB5]  }
0x39: {  	_ = 	snop;
	(pc) =	sbr.ind lr, $3  }
0x3a: {  	_ = 	snop  }
0x3b: {  	_ = 	snop  }
0x3c: {  	p2 =	seq.s32 s10, $0x1;
	s10 =	sld [smem:$0x3FB4]  }
0x3d: {  	_ =	shalt  }
0x3e: {  	_ =	shalt  }
0x3f: {  	_ =	shalt  }
0x40: {  	_ =	shalt  }
0x41: {  	_ =	shalt  }
0x42: {  	_ =	shalt  }
0x43: {  	_ =	shalt  }
0x44: {  	_ =	shalt  }
0x45: {  	_ =	shalt  }
0x46: {  	_ =	shalt  }
0x47: {  	_ =	shalt  }
0x48: {  	_ =	shalt  }
0x49: {  	_ =	shalt  }
0x4a: {  	_ =	shalt  }
0x4b: {  	_ =	shalt  }
0x4c: {  	_ =	shalt  }
0x4d: {  	_ =	shalt  }
0x4e: {  	_ =	shalt  }
0x4f: {  	_ =	shalt  }
0x50: {  	_ =	shalt  }
0x51: {  	_ =	shalt  }
0x52: {  	_ =	shalt  }
0x53: {  	_ =	shalt  }
0x54: {  	_ =	shalt  }
0x55: {  	_ =	shalt  }
0x56: {  	_ =	shalt  }
0x57: {  	_ =	shalt  }
0x58: {  	_ =	shalt  }
0x59: {  	_ =	shalt  }
0x5a: {  	_ =	shalt  }
0x5b: {  	_ =	shalt  }
0x5c: {  	_ =	shalt  }
0x5d: {  	_ =	shalt  }
0x5e: {  	_ =	shalt  }
0x5f: {  	_ =	shalt  }
0x60: {  	_ =	shalt  }
0x61: {  	_ =	shalt  }
0x62: {  	_ =	shalt  }
0x63: {  	_ =	shalt  }
0x64: {  	_ =	shalt  }
0x65: {  	_ =	shalt  }
0x66: {  	_ =	shalt  }
0x67: {  	_ =	shalt  }
0x68: {  	_ =	shalt  }
0x69: {  	_ =	shalt  }
0x6a: {  	_ =	shalt  }
0x6b: {  	_ =	shalt  }
0x6c: {  	_ =	shalt  }
0x6d: {  	_ =	shalt  }
0x6e: {  	_ =	shalt  }
0x6f: {  	_ =	shalt  }
0x70: {  	_ =	shalt  }
0x71: {  	_ =	shalt  }
0x72: {  	_ =	shalt  }
0x73: {  	_ =	shalt  }
0x74: {  	_ =	shalt  }
0x75: {  	_ =	shalt  }
0x76: {  	_ =	shalt  }
0x77: {  	_ =	shalt  }
0x78: {  	_ =	shalt  }
0x79: {  	_ =	shalt  }
0x7a: {  	_ =	shalt  }
0x7b: {  	_ =	shalt  }
0x7c: {  	_ =	shalt  }
0x7d: {  	_ =	shalt  }
0x7e: {  	_ =	shalt  }
0x7f: {  	_ =	shalt  }
0x80: {  	_ =	shalt  }
0x81: {  	_ =	shalt  }
0x82: {  	_ =	shalt  }
0x83: {  	_ =	shalt  }
0x84: {  	_ =	shalt  }
0x85: {  	_ =	shalt  }
0x86: {  	_ =	shalt  }
0x87: {  	_ =	shalt  }
.Lfunc_end0:
.L_simem_size_0:
called_computation.2_lowered:
.L_overlay_start_0:
0x88: {  	s2 =	sld [smem:$0x3FD9]  }
0x89: {  	s3 =	sld [smem:$0x3FFE];
	_ =	sdelay $0x1  }
0x8a: {  	s1 =	srdreg.scid  }
0x8b: {  	s0 =	sand.u32 $0x1, s1  }
0x8c: {  	s16 =	sshll.u32 s0, $0xA;
	s2 =	sadd.s32 s3, s2  }
0x8d: {  	s2 =	sadd.s32 s2, s16  }
0x8e: {  	[smem:$0x3FC0] =	sst s2  }
0x8f: {  	_ = 	snop  }
0x90: {  	(tm) =	ssettm $0x1  }
0x91: {  	s17 =	sld [smem:$0x3FFB];
	_ =	sdelay $0x3  }
0x92: {  	_ =	strace s17  }
0x93: {  	s2 =	sld [smem:$0x3FFC];
	_ =	sdelay $0x3  }
0x94: {  	_ =	strace s2  }
0x95: {  	s2 =	sld [smem:$0x3FFD];
	_ =	sdelay $0x3  }
0x96: {  	_ =	strace s2  }
0x97: {  	_ =	strace $0x8FFFFFFF  }
0x98: {  	s18 =	sld [smem:$0x3FDB];
	_ =	sdelay $0x1  }
0x99: {  	s19 =	simm.s32 $_scs_section_size  }
0x9a: {  	s4 =	simm.s32 $_size__tile_overlayer_lowered;
	s5 =	simm.s32 $_tile_overlayer_lowered  }
0x9b: {  	s22 =	simm.s32 $0x1BFF;
	s21 =	sshll.u32 s5, $0x1;
	s2 =	sadd.s32 s19, s18  }
0x9c: {  	s6 =	simm.s32 $0x0;
	s20 =	sshll.u32 s4, $0x1;
	s4 =	sadd.s32 s21, s2  }
0x9d: {  	[timem:s6], [sflag:s22] =	dma.local [hbm:s4], s20  }
0x9e: {  	_ =	swait.ge [sflag:s22], s20  }
0x9f: {  	s3 =	ssub.s32 $0x0, s20;
	[sflag:s22] =	ssyncset.done $0x0  }
0xa0: {  	[sflag:s22] =	ssyncadd.s32 s3;
	_ =	sdelay $0x1  }
0xa1: {  	s23 =	simm.s32 $0x1B8B  }
0xa2: {  	_ =	swait.ge [sflag:s23], $0x1  }
0xa3: {  	[sflag:s23] =	ssyncset.done $0x0  }
0xa4: {  	s25 =	simm.s32 $0x1B8E;
	s24 =	sld [smem:$0x3FFE];
	[sflag:s23] =	ssyncadd.s32 $0xFFFFFFFF  }
0xa5: {  	s26 =	simm.s32 $execute0_lowered;
	[smem:$0x3FD2] =	sst s25  }
0xa6: {  	s4 =	sshll.u32 s26, $0x1;
	_ =	strace $0x8000004C;
	[dreg:$0x1] =	wrdreg $0xFFFFFFFF  }
0xa7: {  	s28 =	simm.s32 $_size_execute0_lowered;
	s2 =	sadd.s32 s2, s4;
	[dreg:$0x0] =	wrdreg $0x0  }
0xa8: {  	s4 =	sshll.u32 s28, $0x1;
	[dreg:$0x2] =	wrdreg s2  }
0xa9: {  	[dreg:$0x3] =	wrdreg s4  }
0xaa: {  	[dreg:$0x4] =	wrdreg $0xC0  }
0xab: {  	_ =	task [dreg:s6], $0x5FFFF  }
0xac: {  	[dreg:$0x1] =	wrdreg $0xFFFFFFFF  }
0xad: {  	[dreg:$0x0] =	wrdreg $0x60  }
0xae: {  	[dreg:$0x2] =	wrdreg s24  }
0xaf: {  	[dreg:$0x3] =	wrdreg $0xB0000  }
0xb0: {  	[dreg:$0x4] =	wrdreg $0x9  }
0xb1: {  	_ =	task.clear_ibuf [dreg:s6], $0x5FFFF;
	_ =	strace $0x9000004C  }
0xb2: {  	s29 =	simm.s32 $0x9;
	_ =	strace $0x8000004E  }
0xb3: {  	_ =	swait.ge [sflag:s29], $0x1  }
0xb4: {  	[sflag:s29] =	ssyncadd.s32 $0xFFFFFFFF  }
0xb5: {  	_ =	strace $0x9000004E  }
0xb6: {  	_ =	sfence  }
0xb7: {  	s30 =	sld [smem:$0x0];
	_ =	sdelay $0x2  }
0xb8: {  	s31 =	sshll.u32 s1, $0xD;
	s1 =	sshrl.u32 s1, $0x2  }
0xb9: {  	s3 =	sand.u32 $0x4000, s31;
	s1 =	sadd.s32 s1, s30  }
0xba: {  	s0 =	sor.u32 s3, s0;
	s1 =	sshll.u32 s1, $0x11  }
0xbb: {  	s0 =	sor.u32 s1, s0  }
0xbc: {  	s0 =	sadd.s32 $0x8F2B, s0  }
0xbd: {  	[sflag:s0] =	ssyncadd.remote.s32 $0x1  }
0xbe: {  	_ =	sfence.sel $0xFFFF  }
0xbf: {  	[dreg:$0x0] =	wrdreg $0xFFFFFFFF;
	(pc) =	sbr.abs _section_cstart, $3  }
0xc0: {  	[dreg:$0x1] =	wrdreg $0xFFFFFFFF  }
0xc1: {  	_ =	task.clear_ibuf [dreg:s6], $0x2FFFF;
	_ =	strace $0x9FFFFFFF  }
0xc2: {  	(tm) =	ssettm $0x7FFFFFFF  }
0xc3: {  	_ =	shalt  }
tec
execute0_lowered:
.L_overlay_start_1:
0x0: {  	(tag) =	ssettag $0x1  }
0x1: {  	s0 =	rddreg [dreg:$0x0]  }
0x2: {  	s2 =	rddreg [dreg:$0x1]  }
0x3: {  	s3 =	srdreg.scid;
	s1 =	stileid.u32  }
0x4: {  	s14 =	simm.s32 $0x3;
	s15 =	simm.s32 $0x2800;
	s16 =	simm.s32 $0x5000  }
0x5: {  	s17 =	simm.s32 $0x80;
	s18 =	simm.s32 $0x7000;
	s19 =	simm.s32 $0x1  }
0x6: {  	s20 =	simm.s32 $0x100;
	s21 =	simm.s32 $0x9000;
	s22 =	simm.s32 $0x2880  }
0x7: {  	s23 =	simm.s32 $0x2;
	s24 =	simm.s32 $0x180;
	s25 =	simm.s32 $0x4E80  }
0x8: {  	s26 =	simm.s32 $0x2780;
	s28 =	simm.s32 $0x4F00;
	s29 =	simm.s32 $0x4F80  }
0x9: {  	s30 =	simm.s32 $0x0;
	s5 =	sand.u32 $0x1, s3;
	s7 =	smul.u32 $0xA000, s1  }
0xa: {  	s3 =	simm.s32 $0x0;
	s9 =	smul.u32 $0x28000, s1;
	s4 =	sshll.u32 s5, $0x4  }
0xb: {  	[smem:$0x7FF] =	sst s3;
	s6 =	smul.u32 $0xA0000, s5;
	s5 =	ssub.s32 $0x2, s5  }
0xc: {  	s4 =	sor.u32 s1, s4;
	_ =	strace $0x8000004D;
	s31 =	sshrl.u32 s5, $0x1  }
0xd: {  	s9 =	sshrl.u32 s9, $0x2;
	s8 =	smul.u32 $0x500, s4;
	s4 =	sadd.s32 $0x35000, s0  }
0xe: {  	s6 =	sadd.s32 s7, s6;
	s13 =	ssub.s32 s5, s31;
	s11 =	sadd.s32 s9, s2  }
0xf: {  	s7 =	sadd.s32 s7, s2;
	s6 =	sshrl.u32 s6, $0x3;
	s9 =	sadd.s32 $0x4000, s11  }
0x10: {  	s10 =	sadd.s32 $0x6000, s11;
	s13 =	smax.u32 s13, $0x1;
	s8 =	sadd.s32 s8, s0  }
0x11: {  	s0 =	sadd.s32 s6, s0;
	s5 =	sadd.s32 $0x21000, s8;
	s6 =	sadd.s32 $0x2B000, s8  }
0x12: {  	v0 =	vimm.f32 $0.0e+00;
	s8 =	sadd.s32 $0x2000, s11;
	s11 =	sadd.s32 $0x8000, s11;
	s12 =	sadd.s32 $0x49000, s0  }
.LBB2_1:
0x13: {  	[tilespmem:s3], [sflag:$0x3] =	stream.linear.gather [hbm4b:s5+s3], $0x2800, $0x38;
	[tilespmem:$0x15000] =	vst v63  }
0x14: {  	_ =	swait.ge [sflag:s14], $0x2800  }
0x15: {  	[sflag:s14] =	ssyncset.done $0x0  }
0x16: {  	[sflag:s14] =	ssyncadd.s32 $0xFFFFD800  }
0x17: {  	[tilespmem:s15], [sflag:$0x3] =	stream.linear.gather [hbm4b:s6+s3], $0x2800, $0x38;
	[tilespmem:$0x15000] =	vst v63  }
0x18: {  	_ =	swait.ge [sflag:s14], $0x2800  }
0x19: {  	[sflag:s14] =	ssyncset.done $0x0  }
0x1a: {  	s31 =	simm.s32 $0x10;
	s0 =	sand.u32 $0x1FF0, s3;
	[sflag:s14] =	ssyncadd.s32 $0xFFFFD800  }
.LBB2_2:
0x1b: {  	p0 =	sne.s32 s31, $0x1FF0;
	[tilespmem:s0+$0x5000] =	vst v0;
	s0 =	smov.u32 s31;
	s31 =	sadd.s32 $0x10, s31  }
.Ltmp0:
0x1c: {  	(pc) =	sbr.rel @p0 .LBB2_2-.Ltmp0, $2  }
0x1d: {  	_ =	sdelay $0x2  }
0x1e: {  	s0 =	sand.u32 $0x1FF0, s0  }
0x1f: {  	[tilespmem:s0+$0x5000] =	vst v0  }
0x20: {  	[spmem:s7] =	stream.linear.scatter [tilespmem:s16], [sflag:$0x3], $0x2000, $0x38;
	[tilespmem:$0x15000] =	vst v63  }
0x21: {  	_ =	swait.ge [sflag:s14], $0x2000  }
0x22: {  	[sflag:s14] =	ssyncset.done $0x0  }
0x23: {  	[sflag:s14] =	ssyncadd.s32 $0xFFFFE000  }
0x24: {  	[spmem:s8] =	stream.linear.scatter [tilespmem:s16], [sflag:$0x3], $0x2000, $0x38;
	[tilespmem:$0x15000] =	vst v63  }
0x25: {  	_ =	swait.ge [sflag:s14], $0x2000  }
0x26: {  	[sflag:s14] =	ssyncset.done $0x0  }
0x27: {  	[sflag:s14] =	ssyncadd.s32 $0xFFFFE000  }
0x28: {  	[spmem:s9] =	stream.linear.scatter [tilespmem:s16], [sflag:$0x3], $0x2000, $0x38;
	[tilespmem:$0x15000] =	vst v63  }
0x29: {  	_ =	swait.ge [sflag:s14], $0x2000  }
0x2a: {  	[sflag:s14] =	ssyncset.done $0x0  }
0x2b: {  	[sflag:s14] =	ssyncadd.s32 $0xFFFFE000  }
0x2c: {  	[spmem:s10] =	stream.linear.scatter [tilespmem:s16], [sflag:$0x3], $0x2000, $0x38;
	[tilespmem:$0x15000] =	vst v63  }
0x2d: {  	_ =	swait.ge [sflag:s14], $0x2000  }
0x2e: {  	[sflag:s14] =	ssyncset.done $0x0  }
0x2f: {  	[sflag:s14] =	ssyncadd.s32 $0xFFFFE000  }
0x30: {  	[spmem:s11] =	stream.linear.scatter [tilespmem:s16], [sflag:$0x3], $0x2000, $0x38;
	[tilespmem:$0x15000] =	vst v63  }
0x31: {  	_ =	swait.ge [sflag:s14], $0x2000  }
0x32: {  	[sflag:s14] =	ssyncset.done $0x0  }
0x33: {  	s1 =	simm.s32 $0x0;
	[sflag:s14] =	ssyncadd.s32 $0xFFFFE000  }
0x34: {  	[tilespmem:s16], [sflag:$0x1] =	stream.indirect.gather [hbm4b:s4+s17], $0x40, s1, s17, $0xb8;
	[tilespmem:$0x15000] =	vst v63  }
0x35: {  	_ = 	snop  }
0x36: {  	[tilespmem:s18], [sflag:$0x1] =	stream.indirect.gather [hbm4b:s4+s17], $0x40, s17, s17, $0xb8;
	[tilespmem:$0x15000] =	vst v63  }
0x37: {  	[bflag:$0x0] =	sbarrier.arrive $0xFFFF  }
0x38: {  	_ =	swait.ge [sflag:s19], $0x2000  }
0x39: {  	[sflag:s19] =	ssyncset.done $0x0  }
0x3a: {  	[sflag:s19] =	ssyncadd.s32 $0xFFFFE000  }
0x3b: {  	[spmem:s2] =	stream.indirect.scatter.add.f32 [tilespmem:s16], [sflag:$0x2], $0x40, s15, s17, $0xb8;
	[tilespmem:$0x15000] =	vst v63  }
0x3c: {  	_ = 	snop  }
0x3d: {  	[tilespmem:s21], [sflag:$0x1] =	stream.indirect.gather [hbm4b:s4+s17], $0x40, s20, s17, $0xb8;
	[tilespmem:$0x15000] =	vst v63  }
0x3e: {  	_ =	swait.ge [sflag:s19], $0x2000  }
0x3f: {  	[sflag:s19] =	ssyncset.done $0x0  }
0x40: {  	[sflag:s19] =	ssyncadd.s32 $0xFFFFE000  }
0x41: {  	[spmem:s2] =	stream.indirect.scatter.add.f32 [tilespmem:s18], [sflag:$0x2], $0x40, s22, s17, $0xb8;
	[tilespmem:$0x15000] =	vst v63  }
0x42: {  	_ =	swait.ge [sflag:s23], $0x2000  }
0x43: {  	[sflag:s23] =	ssyncset.done $0x0  }
0x44: {  	[sflag:s23] =	ssyncadd.s32 $0xFFFFE000  }
0x45: {  	[tilespmem:s16], [sflag:$0x1] =	stream.indirect.gather [hbm4b:s4+s17], $0x40, s24, s17, $0xb8;
	[tilespmem:$0x15000] =	vst v63  }
0x46: {  	_ =	swait.ge [sflag:s19], $0x2000  }
0x47: {  	[sflag:s19] =	ssyncset.done $0x0  }
0x48: {  	s1 =	simm.s32 $0x2900;
	[sflag:s19] =	ssyncadd.s32 $0xFFFFE000  }
0x49: {  	[spmem:s2] =	stream.indirect.scatter.add.f32 [tilespmem:s21], [sflag:$0x2], $0x40, s1, s17, $0xb8;
	[tilespmem:$0x15000] =	vst v63  }
0x4a: {  	_ =	swait.ge [sflag:s23], $0x2000  }
0x4b: {  	[sflag:s23] =	ssyncset.done $0x0  }
0x4c: {  	s1 =	simm.s32 $0x200;
	[sflag:s23] =	ssyncadd.s32 $0xFFFFE000  }
0x4d: {  	[tilespmem:s18], [sflag:$0x1] =	stream.indirect.gather [hbm4b:s4+s17], $0x40, s1, s17, $0xb8;
	[tilespmem:$0x15000] =	vst v63  }
0x4e: {  	_ =	swait.ge [sflag:s19], $0x2000  }
0x4f: {  	[sflag:s19] =	ssyncset.done $0x0  }
0x50: {  	s1 =	simm.s32 $0x2980;
	[sflag:s19] =	ssyncadd.s32 $0xFFFFE000  }
0x51: {  	[spmem:s2] =	stream.indirect.scatter.add.f32 [tilespmem:s16], [sflag:$0x2], $0x40, s1, s17, $0xb8;
	[tilespmem:$0x15000] =	vst v63  }
0x52: {  	_ =	swait.ge [sflag:s23], $0x2000  }
0x53: {  	[sflag:s23] =	ssyncset.done $0x0  }
0x54: {  	s1 =	simm.s32 $0x280;
	[sflag:s23] =	ssyncadd.s32 $0xFFFFE000  }
0x55: {  	[tilespmem:s21], [sflag:$0x1] =	stream.indirect.gather [hbm4b:s4+s17], $0x40, s1, s17, $0xb8;
	[tilespmem:$0x15000] =	vst v63  }
0x56: {  	_ =	swait.ge [sflag:s19], $0x2000  }
0x57: {  	[sflag:s19] =	ssyncset.done $0x0  }
0x58: {  	s1 =	simm.s32 $0x2A00;
	[sflag:s19] =	ssyncadd.s32 $0xFFFFE000  }
0x59: {  	[spmem:s2] =	stream.indirect.scatter.add.f32 [tilespmem:s18], [sflag:$0x2], $0x40, s1, s17, $0xb8;
	[tilespmem:$0x15000] =	vst v63  }
0x5a: {  	_ =	swait.ge [sflag:s23], $0x2000  }
0x5b: {  	[sflag:s23] =	ssyncset.done $0x0  }
0x5c: {  	s31 =	simm.s32 $0x600;
	s0 =	simm.s32 $0x300;
	[sflag:s23] =	ssyncadd.s32 $0xFFFFE000  }
.LBB2_4:
0x5d: {  	[tilespmem:s16], [sflag:$0x1] =	stream.indirect.gather [hbm4b:s4+s17], $0x40, s0, s17, $0xb8;
	[tilespmem:$0x15000] =	vst v63  }
0x5e: {  	s0 =	smov.u32 s31  }
0x5f: {  	p0 =	sne.s32 s31, $0x9000;
	s31 =	sadd.s32 $0x600, s31;
	_ =	swait.ge [sflag:s19], $0x2000  }
0x60: {  	s0 =	sshra.s32 s0, $0x2;
	[sflag:s19] =	ssyncset.done $0x0  }
0x61: {  	s1 =	sadd.s32 $0x2900, s0;
	[sflag:s19] =	ssyncadd.s32 $0xFFFFE000  }
0x62: {  	[spmem:s2] =	stream.indirect.scatter.add.f32 [tilespmem:s21], [sflag:$0x2], $0x40, s1, s17, $0xb8;
	[tilespmem:$0x15000] =	vst v63  }
0x63: {  	_ =	swait.ge [sflag:s23], $0x2000  }
0x64: {  	[sflag:s23] =	ssyncset.done $0x0  }
0x65: {  	s1 =	sadd.s32 $0x200, s0;
	[sflag:s23] =	ssyncadd.s32 $0xFFFFE000  }
0x66: {  	[tilespmem:s18], [sflag:$0x1] =	stream.indirect.gather [hbm4b:s4+s17], $0x40, s1, s17, $0xb8;
	[tilespmem:$0x15000] =	vst v63  }
0x67: {  	_ =	swait.ge [sflag:s19], $0x2000  }
0x68: {  	[sflag:s19] =	ssyncset.done $0x0  }
0x69: {  	s1 =	sadd.s32 $0x2980, s0;
	[sflag:s19] =	ssyncadd.s32 $0xFFFFE000  }
0x6a: {  	[spmem:s2] =	stream.indirect.scatter.add.f32 [tilespmem:s16], [sflag:$0x2], $0x40, s1, s17, $0xb8;
	[tilespmem:$0x15000] =	vst v63  }
0x6b: {  	_ =	swait.ge [sflag:s23], $0x2000  }
0x6c: {  	[sflag:s23] =	ssyncset.done $0x0  }
0x6d: {  	s1 =	sadd.s32 $0x280, s0;
	[sflag:s23] =	ssyncadd.s32 $0xFFFFE000  }
0x6e: {  	[tilespmem:s21], [sflag:$0x1] =	stream.indirect.gather [hbm4b:s4+s17], $0x40, s1, s17, $0xb8;
	[tilespmem:$0x15000] =	vst v63  }
0x6f: {  	_ =	swait.ge [sflag:s19], $0x2000  }
0x70: {  	[sflag:s19] =	ssyncset.done $0x0  }
.Ltmp1:
0x71: {  	s1 =	sadd.s32 $0x2A00, s0;
	[sflag:s19] =	ssyncadd.s32 $0xFFFFE000;
	(pc) =	sbr.rel @p0 .LBB2_4-.Ltmp1, $4  }
0x72: {  	[spmem:s2] =	stream.indirect.scatter.add.f32 [tilespmem:s18], [sflag:$0x2], $0x40, s1, s17, $0xb8;
	[tilespmem:$0x15000] =	vst v63  }
0x73: {  	_ =	swait.ge [sflag:s23], $0x2000  }
0x74: {  	[sflag:s23] =	ssyncset.done $0x0  }
0x75: {  	s0 =	sadd.s32 $0x300, s0;
	[sflag:s23] =	ssyncadd.s32 $0xFFFFE000  }
0x76: {  	[tilespmem:s16], [sflag:$0x1] =	stream.indirect.gather [hbm4b:s4+s17], $0x40, s0, s17, $0xb8;
	[tilespmem:$0x15000] =	vst v63  }
0x77: {  	_ =	swait.ge [sflag:s19], $0x2000  }
0x78: {  	[sflag:s19] =	ssyncset.done $0x0  }
0x79: {  	[sflag:s19] =	ssyncadd.s32 $0xFFFFE000  }
0x7a: {  	[spmem:s2] =	stream.indirect.scatter.add.f32 [tilespmem:s21], [sflag:$0x2], $0x40, s25, s17, $0xb8;
	[tilespmem:$0x15000] =	vst v63  }
0x7b: {  	_ =	swait.ge [sflag:s23], $0x2000  }
0x7c: {  	[sflag:s23] =	ssyncset.done $0x0  }
0x7d: {  	[sflag:s23] =	ssyncadd.s32 $0xFFFFE000  }
0x7e: {  	[tilespmem:s18], [sflag:$0x1] =	stream.indirect.gather [hbm4b:s4+s17], $0x40, s26, s17, $0xb8;
	[tilespmem:$0x15000] =	vst v63  }
0x7f: {  	_ =	swait.ge [sflag:s19], $0x2000  }
0x80: {  	[sflag:s19] =	ssyncset.done $0x0  }
0x81: {  	[sflag:s19] =	ssyncadd.s32 $0xFFFFE000  }
0x82: {  	[spmem:s2] =	stream.indirect.scatter.add.f32 [tilespmem:s16], [sflag:$0x2], $0x40, s28, s17, $0xb8;
	[tilespmem:$0x15000] =	vst v63  }
0x83: {  	_ =	swait.ge [sflag:s23], $0x2000  }
0x84: {  	[sflag:s23] =	ssyncset.done $0x0  }
0x85: {  	[sflag:s23] =	ssyncadd.s32 $0xFFFFE000  }
0x86: {  	_ =	swait.ge [sflag:s19], $0x2000  }
0x87: {  	[sflag:s19] =	ssyncset.done $0x0  }
0x88: {  	[sflag:s19] =	ssyncadd.s32 $0xFFFFE000  }
0x89: {  	[spmem:s2] =	stream.indirect.scatter.add.f32 [tilespmem:s18], [sflag:$0x2], $0x40, s29, s17, $0xb8;
	[tilespmem:$0x15000] =	vst v63  }
0x8a: {  	_ =	swait.ge [sflag:s23], $0x2000  }
0x8b: {  	[sflag:s23] =	ssyncset.done $0x0  }
0x8c: {  	[sflag:s23] =	ssyncadd.s32 $0xFFFFE000  }
0x8d: {  	s31 =	stileid.u32;
	_ =	swait.ge [sflag:s23], $0x2000  }
0x8e: {  	s1 =	sshrl.u32 s7, $0x3;
	s30 =	sadd.s32 $0x1, s30;
	[sflag:s23] =	ssyncset.done $0x0  }
0x8f: {  	s0 =	sshll.u32 s31, $0x6;
	p0 =	sne.s32 s30, s13;
	[sflag:s23] =	ssyncadd.s32 $0xFFFFE000  }
.Ltmp2:
0x90: {  	s0 =	sor.u32 $0x1C03, s0;
	[bflag:$0x0] =	sbarrier.arrive $0xFFFF;
	(pc) =	sbr.rel @p0 .LBB2_1-.Ltmp2, $4  }
0x91: {  	[hbm:s12], [sflag:s0] =	dma.local [spmem:s1], $0x1400  }
0x92: {  	_ =	swait.ge [sflag:s14], $0x1400  }
0x93: {  	[sflag:s14] =	ssyncset.done $0x0  }
0x94: {  	[sflag:s14] =	ssyncadd.s32 $0xFFFFEC00  }
0x95: {  	_ =	sfence.sel $0x180000  }
0x96: {  	[bflag:$0x0] =	sbarrier.arrive $0xFFFF  }
0x97: {  	_ =	strace $0x9000004D  }
0x98: {  	s0 =	stileid.u32;
	[bflag:$0x2] =	sbarrier.arrive $0xFFFF  }
0x99: {  	p0 =	sne.s32 s0, $0x0;
	s0 =	rddreg [dreg:$0x2]  }
0x9a: {  	s0 =	sadd.s32 @!p0 $0x100000, s0  }
0x9b: {  	[sflag:s0] =	ssyncadd.tile.s32 @!p0 $0x1;
	_ =	shalt  }
.Lfunc_end2:
_tile_overlayer_lowered:
.L_overlay_start_2:
0x9c: {  	(tag) =	ssettag $0x2  }
0x9d: {  	s0 =	rddreg [dreg:$0x0];
	s2 =	stileid.u32  }
0x9e: {  	s1 =	rddreg [dreg:$0x1];
	p0 =	sne.s32 s2, $0x0  }
0x9f: {  	s3 =	rddreg [dreg:$0x2];
	[bflag:$0x3] =	sbarrier.arrive $0xFFFF;
	s2 =	simm.s32 @!p0 $0x1C03  }
0xa0: {  	[timem:s3], [sflag:s2] =	dma.local @!p0 [hbm:s0], s1  }
0xa1: {  	s0 =	simm.s32 @!p0 $0x3  }
0xa2: {  	_ =	swait.ge @!p0 [sflag:s0], s1  }
0xa3: {  	s1 =	ssub.s32 @!p0 $0x0, s1;
	[sflag:s0] =	ssyncset.done @!p0 $0x0  }
0xa4: {  	[sflag:s0] =	ssyncadd.s32 @!p0 s1  }
0xa5: {  	[bflag:$0x3] =	sbarrier.arrive $0xFFFF  }
0xa6: {  	_ =	shalt  }

// kernel: kernel.21.cloned.1.call-start
scs
__scs_entry_jumppad:
0x0: {  	(pc) =	sbr.rel $0x88, $3  }
0x1: {  	(tag) =	ssettag $0x0;
	lr =	simm.s32 $0x1  }
0x2: {  	[smem:$0x3F99] =	sst lr;
	_ =	strace $0xD0000000  }
0x3: {  	_ = 	snop  }
0x4: {  	_ = 	snop  }
0x5: {  	_ = 	snop  }
0x6: {  	_ = 	snop  }
0x7: {  	_ = 	snop  }
__scs_overlays_trampoline_lowered:
0x8: {  	[smem:$0x3FA8] =	sst s0  }
0x9: {  	[smem:$0x3FA9] =	sst s1  }
0xa: {  	[smem:$0x3FAA] =	sst s2  }
0xb: {  	[smem:$0x3FAB] =	sst s3  }
0xc: {  	[smem:$0x3FAC] =	sst s4  }
0xd: {  	[smem:$0x3FAD] =	sst s5  }
0xe: {  	[smem:$0x3FAE] =	sst s6  }
0xf: {  	[smem:$0x3FAF] =	sst s7  }
0x10: {  	[smem:$0x3FB0] =	sst s8  }
0x11: {  	[smem:$0x3FB1] =	sst s9;
	s0 =	simm.s32 @!p0 $0x0  }
0x12: {  	s1 =	sld [smem:$0x3F97];
	s0 =	simm.s32 @p0 $0x1  }
0x13: {  	[smem:$0x3FB2] =	sst s0;
	s0 =	simm.s32 @!p1 $0x0  }
0x14: {  	s2 =	sld [smem:$0x3F96];
	s0 =	simm.s32 @p1 $0x1  }
0x15: {  	[smem:$0x3FB3] =	sst s0;
	s0 =	simm.s32 @!p2 $0x0  }
0x16: {  	s3 =	sld [smem:$0x3FDB];
	s0 =	simm.s32 @p2 $0x1  }
0x17: {  	s4 =	simm.s32 $0x1BF5;
	[smem:$0x3FB5] =	sst s0  }
0x18: {  	s0 =	sld [smem:$0x3F98];
	_ =	swait.ge [sflag:s4], $0x0  }
0x19: {  	s7 =	sld [smem:$0x3F99]  }
0x1a: {  	s8 =	sadd.s32 $0xFFFFE003, lr  }
0x1b: {  	s9 =	sadd.s32 $0xFFFFFEF7, lr;
	s5 =	simm.s32 $0xFFFFFFFF;
	p2 =	slt.u32 s8, $0xFFFFF086  }
0x1c: {  	p1 =	slt.u32 s9, $0xF7A;
	s5 =	simm.s32 @!p2 $0x0  }
0x1d: {  	s5 =	simm.s32 @p1 $0x1;
	p0 =	seq.s32 s7, s2  }
0x1e: {  	s7 =	smul.u32 @!p0 $0xF7A, s2;
	p2 =	seq.s32 @!p0 s5, $0x0  }
0x1f: {  	s9 =	smul.u32 $0xF7A, s1;
	s8 =	simm.s32 @!p0 $0x1BF5;
	p2 =	por !p2, p0  }
0x20: {  	[sflag:s8] =	ssyncset.s32 @!p0 $0xFFFFF086;
	s6 =	sadd.s32 @!p0 s3, s7;
	s7 =	simm.s32 @!p0 $0x108  }
0x21: {  	s3 =	sadd.s32 s3, s9;
	s6 =	sadd.s32 @!p0 $0x88, s6;
	s7 =	simm.s32 @p2 $0x1082  }
0x22: {  	[simem:s7], [sflag:s8] =	dma.local @!p0 [hbm:s6], $0xF7A  }
0x23: {  	s9 =	sor.u32 $0xD0000000, s2;
	s6 =	simm.s32 $0x108;
	_ =	swait.ge @!p0 [sflag:s8], $0x0  }
0x24: {  	s3 =	sadd.s32 $0x88, s3;
	s6 =	simm.s32 @!p1 $0x1082;
	[sflag:s4] =	ssyncset.s32 $0xFFFFF086  }
0x25: {  	[simem:s6], [sflag:s4] =	dma.local [hbm:s3], $0xF7A  }
0x26: {  	[smem:$0x3F99] =	sst s1;
	(tag) =	ssettag s2;
	_ =	strace s9  }
0x27: {  	s1 =	sld [smem:$0x3FA9]  }
0x28: {  	s2 =	sld [smem:$0x3FAA]  }
0x29: {  	s4 =	sld [smem:$0x3FAC]  }
0x2a: {  	p0 =	seq.s32 s5, $0x0;
	s5 =	sld [smem:$0x3FAD]  }
0x2b: {  	s6 =	sld [smem:$0x3FAE]  }
0x2c: {  	s7 =	sld [smem:$0x3FAF]  }
0x2d: {  	s3 =	simm.s32 $0x108;
	s8 =	sld [smem:$0x3FB0]  }
0x2e: {  	s3 =	simm.s32 @!p0 $0x1082;
	s9 =	sld [smem:$0x3FB1]  }
0x2f: {  	lr =	sadd.s32 s0, s3;
	s0 =	sld [smem:$0x3FA8]  }
0x30: {  	s3 =	sld [smem:$0x3FAB]  }
0x31: {  	[smem:$0x3FB4] =	sst s10  }
0x32: {  	s10 =	sld [smem:$0x3FB2];
	_ =	sdelay $0x3  }
0x33: {  	p0 =	seq.s32 s10, $0x1;
	s10 =	sld [smem:$0x3FB4];
	_ =	sdelay $0x3  }
0x34: {  	[smem:$0x3FB4] =	sst s10  }
0x35: {  	s10 =	sld [smem:$0x3FB3];
	_ =	sdelay $0x3  }
0x36: {  	p1 =	seq.s32 s10, $0x1;
	s10 =	sld [smem:$0x3FB4];
	_ =	sdelay $0x3  }
0x37: {  	[smem:$0x3FB4] =	sst s10  }
0x38: {  	s10 =	sld [smem:$0x3FB5]  }
0x39: {  	_ = 	snop;
	(pc) =	sbr.ind lr, $3  }
0x3a: {  	_ = 	snop  }
0x3b: {  	_ = 	snop  }
0x3c: {  	p2 =	seq.s32 s10, $0x1;
	s10 =	sld [smem:$0x3FB4]  }
0x3d: {  	_ =	shalt  }
0x3e: {  	_ =	shalt  }
0x3f: {  	_ =	shalt  }
0x40: {  	_ =	shalt  }
0x41: {  	_ =	shalt  }
0x42: {  	_ =	shalt  }
0x43: {  	_ =	shalt  }
0x44: {  	_ =	shalt  }
0x45: {  	_ =	shalt  }
0x46: {  	_ =	shalt  }
0x47: {  	_ =	shalt  }
0x48: {  	_ =	shalt  }
0x49: {  	_ =	shalt  }
0x4a: {  	_ =	shalt  }
0x4b: {  	_ =	shalt  }
0x4c: {  	_ =	shalt  }
0x4d: {  	_ =	shalt  }
0x4e: {  	_ =	shalt  }
0x4f: {  	_ =	shalt  }
0x50: {  	_ =	shalt  }
0x51: {  	_ =	shalt  }
0x52: {  	_ =	shalt  }
0x53: {  	_ =	shalt  }
0x54: {  	_ =	shalt  }
0x55: {  	_ =	shalt  }
0x56: {  	_ =	shalt  }
0x57: {  	_ =	shalt  }
0x58: {  	_ =	shalt  }
0x59: {  	_ =	shalt  }
0x5a: {  	_ =	shalt  }
0x5b: {  	_ =	shalt  }
0x5c: {  	_ =	shalt  }
0x5d: {  	_ =	shalt  }
0x5e: {  	_ =	shalt  }
0x5f: {  	_ =	shalt  }
0x60: {  	_ =	shalt  }
0x61: {  	_ =	shalt  }
0x62: {  	_ =	shalt  }
0x63: {  	_ =	shalt  }
0x64: {  	_ =	shalt  }
0x65: {  	_ =	shalt  }
0x66: {  	_ =	shalt  }
0x67: {  	_ =	shalt  }
0x68: {  	_ =	shalt  }
0x69: {  	_ =	shalt  }
0x6a: {  	_ =	shalt  }
0x6b: {  	_ =	shalt  }
0x6c: {  	_ =	shalt  }
0x6d: {  	_ =	shalt  }
0x6e: {  	_ =	shalt  }
0x6f: {  	_ =	shalt  }
0x70: {  	_ =	shalt  }
0x71: {  	_ =	shalt  }
0x72: {  	_ =	shalt  }
0x73: {  	_ =	shalt  }
0x74: {  	_ =	shalt  }
0x75: {  	_ =	shalt  }
0x76: {  	_ =	shalt  }
0x77: {  	_ =	shalt  }
0x78: {  	_ =	shalt  }
0x79: {  	_ =	shalt  }
0x7a: {  	_ =	shalt  }
0x7b: {  	_ =	shalt  }
0x7c: {  	_ =	shalt  }
0x7d: {  	_ =	shalt  }
0x7e: {  	_ =	shalt  }
0x7f: {  	_ =	shalt  }
0x80: {  	_ =	shalt  }
0x81: {  	_ =	shalt  }
0x82: {  	_ =	shalt  }
0x83: {  	_ =	shalt  }
0x84: {  	_ =	shalt  }
0x85: {  	_ =	shalt  }
0x86: {  	_ =	shalt  }
0x87: {  	_ =	shalt  }
.Lfunc_end0:
.L_simem_size_0:
called_computation.3_lowered:
.L_overlay_start_0:
0x88: {  	s2 =	sld [smem:$0x3FD9]  }
0x89: {  	s3 =	sld [smem:$0x3FFE];
	_ =	sdelay $0x1  }
0x8a: {  	s1 =	srdreg.scid  }
0x8b: {  	s0 =	sand.u32 $0x1, s1  }
0x8c: {  	s16 =	sshll.u32 s0, $0xA;
	s2 =	sadd.s32 s3, s2  }
0x8d: {  	s2 =	sadd.s32 s2, s16  }
0x8e: {  	[smem:$0x3FC0] =	sst s2  }
0x8f: {  	_ = 	snop  }
0x90: {  	(tm) =	ssettm $0x1  }
0x91: {  	s17 =	sld [smem:$0x3FFB];
	_ =	sdelay $0x3  }
0x92: {  	_ =	strace s17  }
0x93: {  	s2 =	sld [smem:$0x3FFC];
	_ =	sdelay $0x3  }
0x94: {  	_ =	strace s2  }
0x95: {  	s2 =	sld [smem:$0x3FFD];
	_ =	sdelay $0x3  }
0x96: {  	_ =	strace s2  }
0x97: {  	_ =	strace $0x8FFFFFFF  }
0x98: {  	s18 =	sld [smem:$0x3FDB];
	_ =	sdelay $0x1  }
0x99: {  	s19 =	simm.s32 $_scs_section_size  }
0x9a: {  	s4 =	simm.s32 $_size__tile_overlayer_lowered;
	s5 =	simm.s32 $_tile_overlayer_lowered  }
0x9b: {  	s22 =	simm.s32 $0x1BFF;
	s21 =	sshll.u32 s5, $0x1;
	s2 =	sadd.s32 s19, s18  }
0x9c: {  	s6 =	simm.s32 $0x0;
	s20 =	sshll.u32 s4, $0x1;
	s4 =	sadd.s32 s21, s2  }
0x9d: {  	[timem:s6], [sflag:s22] =	dma.local [hbm:s4], s20  }
0x9e: {  	_ =	swait.ge [sflag:s22], s20  }
0x9f: {  	s3 =	ssub.s32 $0x0, s20;
	[sflag:s22] =	ssyncset.done $0x0  }
0xa0: {  	[sflag:s22] =	ssyncadd.s32 s3;
	_ =	sdelay $0x1  }
0xa1: {  	s23 =	simm.s32 $0x1B8B  }
0xa2: {  	_ =	swait.ge [sflag:s23], $0x1  }
0xa3: {  	[sflag:s23] =	ssyncset.done $0x0  }
0xa4: {  	s25 =	simm.s32 $0x1B8E;
	s24 =	sld [smem:$0x3FFE];
	[sflag:s23] =	ssyncadd.s32 $0xFFFFFFFF  }
0xa5: {  	s26 =	simm.s32 $execute0_lowered;
	[smem:$0x3FD2] =	sst s25  }
0xa6: {  	s4 =	sshll.u32 s26, $0x1;
	_ =	strace $0x8000004F;
	[dreg:$0x1] =	wrdreg $0xFFFFFFFF  }
0xa7: {  	s28 =	simm.s32 $_size_execute0_lowered;
	s2 =	sadd.s32 s2, s4;
	[dreg:$0x0] =	wrdreg $0x0  }
0xa8: {  	s4 =	sshll.u32 s28, $0x1;
	[dreg:$0x2] =	wrdreg s2  }
0xa9: {  	[dreg:$0x3] =	wrdreg s4  }
0xaa: {  	[dreg:$0x4] =	wrdreg $0xC0  }
0xab: {  	_ =	task [dreg:s6], $0x5FFFF  }
0xac: {  	[dreg:$0x1] =	wrdreg $0xFFFFFFFF  }
0xad: {  	[dreg:$0x0] =	wrdreg $0x60  }
0xae: {  	[dreg:$0x2] =	wrdreg s24  }
0xaf: {  	[dreg:$0x3] =	wrdreg $0x9  }
0xb0: {  	_ =	task.clear_ibuf [dreg:s6], $0x4FFFF;
	_ =	strace $0x9000004F  }
0xb1: {  	s29 =	simm.s32 $0x9;
	_ =	strace $0x80000051  }
0xb2: {  	_ =	swait.ge [sflag:s29], $0x1  }
0xb3: {  	[sflag:s29] =	ssyncadd.s32 $0xFFFFFFFF  }
0xb4: {  	_ =	strace $0x90000051  }
0xb5: {  	_ =	sfence  }
0xb6: {  	s30 =	sld [smem:$0x0];
	_ =	sdelay $0x2  }
0xb7: {  	s31 =	sshll.u32 s1, $0xD;
	s1 =	sshrl.u32 s1, $0x2  }
0xb8: {  	s3 =	sand.u32 $0x4000, s31;
	s1 =	sadd.s32 s1, s30  }
0xb9: {  	s0 =	sor.u32 s3, s0;
	s1 =	sshll.u32 s1, $0x11  }
0xba: {  	s0 =	sor.u32 s1, s0  }
0xbb: {  	s0 =	sadd.s32 $0x8F2B, s0  }
0xbc: {  	[sflag:s0] =	ssyncadd.remote.s32 $0x1  }
0xbd: {  	_ =	sfence.sel $0xFFFF  }
0xbe: {  	[dreg:$0x0] =	wrdreg $0xFFFFFFFF;
	(pc) =	sbr.abs _section_cstart, $3  }
0xbf: {  	[dreg:$0x1] =	wrdreg $0xFFFFFFFF  }
0xc0: {  	_ =	task.clear_ibuf [dreg:s6], $0x2FFFF;
	_ =	strace $0x9FFFFFFF  }
0xc1: {  	(tm) =	ssettm $0x7FFFFFFF  }
tec
execute0_lowered:
.L_overlay_start_1:
0x0: {  	(tag) =	ssettag $0x1  }
0x1: {  	s0 =	srdreg.scid;
	s4 =	rddreg [dreg:$0x0];
	s2 =	simm.s32 $0x0  }
0x2: {  	s10 =	simm.s32 $0x4F10;
	s11 =	simm.s32 $0x7620;
	s3 =	sand.u32 $0x1, s0  }
0x3: {  	s12 =	simm.s32 $0x0;
	s0 =	stileid.u32;
	s1 =	sshll.u32 s3, $0x4  }
0x4: {  	[smem:$0x7FF] =	sst s2;
	s7 =	ssub.s32 $0x2, s3;
	s5 =	sor.u32 s0, s1  }
0x5: {  	s3 =	sadd.s32 $0x17000, s4;
	s1 =	rddreg [dreg:$0x1];
	s6 =	smul.u32 $0x4E2, s5  }
0x6: {  	_ =	strace $0x80000050;
	s8 =	sshrl.u32 s7, $0x1;
	s5 =	smul.u32 $0x500, s5  }
0x7: {  	s7 =	ssub.s32 s7, s8;
	s8 =	simm.s32 $0x1;
	s6 =	sadd.s32 s6, s4  }
0x8: {  	s7 =	smax.u32 s7, $0x1;
	s9 =	sadd.s32 s5, s4;
	s4 =	sadd.s32 $0xD200, s6  }
0x9: {  	v0 =	vimm.f32 $0.0e+00;
	s5 =	sadd.s32 $0x3400, s6;
	s6 =	sadd.s32 $0x17600, s9;
	s9 =	simm.s32 $0x2800  }
.LBB2_1:
0xa: {  	[tilespmem:s2], [sflag:$0x1] =	stream.linear.gather [hbm4b:s3+s2], $0x2800, $0x38;
	[tilespmem:$0x9E20] =	vst v63  }
0xb: {  	_ =	swait.ge [sflag:s8], $0x2800  }
0xc: {  	[sflag:s8] =	ssyncset.done $0x0  }
0xd: {  	[sflag:s8] =	ssyncadd.s32 $0xFFFFD800  }
0xe: {  	[tilespmem:s9], [sflag:$0x1] =	stream.linear.gather [hbm4b:s4+s2], $0x2710, $0x38;
	[tilespmem:$0x9E20] =	vst v63  }
0xf: {  	_ =	swait.ge [sflag:s8], $0x2710  }
0x10: {  	[sflag:s8] =	ssyncset.done $0x0  }
0x11: {  	[sflag:s8] =	ssyncadd.s32 $0xFFFFD8F0  }
0x12: {  	[tilespmem:s10], [sflag:$0x1] =	stream.linear.gather [hbm4b:s5+s2], $0x2710, $0x38;
	[tilespmem:$0x9E20] =	vst v63  }
0x13: {  	_ =	swait.ge [sflag:s8], $0x2710  }
0x14: {  	[sflag:s8] =	ssyncset.done $0x0  }
0x15: {  	s13 =	simm.s32 $0x0;
	[sflag:s8] =	ssyncadd.s32 $0xFFFFD8F0  }
.LBB2_2:
0x16: {  	p0 =	sne.s32 s13, $0x9FC0  }
.Ltmp0:
0x17: {  	_ = 	snop;
	(pc) =	sbr.rel @p0 .LBB2_2-.Ltmp0, $3  }
0x18: {  	_ =	sdelay $0x1  }
0x19: {  	s14 =	sshra.s32 s13, $0x2  }
0x1a: {  	s13 =	sadd.s32 $0x40, s13;
	[tilespmem:s14+$0x7620] =	vst v0  }
0x1b: {  	s14 =	simm.s32 $0x0;
	s13 =	simm.s32 $0x40  }
.LBB2_4:
0x1c: {  	p0 =	sne.s32 s13, $0x9C00;
	v1 =	vld [tilespmem:s14+$0x2800];
	_ =	sdelay $0x5  }
0x1d: {  	v2 =	vld [tilespmem:s14+$0x4F10];
	_ =	sdelay $0x1  }
0x1e: {  	v1 =	vld.idx.msk [tilespmem:v1+s2+$0x0], $0xffff;
	_ =	sdelay $0x1  }
.Ltmp1:
0x1f: {  	(pc) =	sbr.rel @p0 .LBB2_4-.Ltmp1, $2  }
0x20: {  	_ =	sdelay $0x2  }
0x21: {  	s14 =	sshra.s32 s13, $0x2;
	s13 =	sadd.s32 $0x40, s13;
	[tilespmem:v2+s11+$0x0] =	vst.idx.add.f32.msk $0xffff, v1  }
0x22: {  	v1 =	vld [tilespmem:s14+$0x2800];
	_ =	sdelay $0x4  }
0x23: {  	v2 =	vld [tilespmem:s14+$0x4F10];
	_ =	sdelay $0x2  }
0x24: {  	v1 =	vld.idx.msk [tilespmem:v1+s2+$0x0], $0xffff;
	_ =	sdelay $0x2  }
0x25: {  	s12 =	sadd.s32 $0x1, s12  }
0x26: {  	p0 =	sne.s32 s12, s7  }
.Ltmp2:
0x27: {  	[tilespmem:v2+s11+$0x0] =	vst.idx.add.f32.msk $0xffff, v1;
	(pc) =	sbr.rel @p0 .LBB2_1-.Ltmp2, $4  }
0x28: {  	[hbm4b:s6+s2] =	stream.linear.scatter [tilespmem:s11], [sflag:$0x1], $0x2800, $0x38;
	[tilespmem:$0x9E20] =	vst v63  }
0x29: {  	_ =	swait.ge [sflag:s8], $0x2800  }
0x2a: {  	[sflag:s8] =	ssyncset.done $0x0  }
0x2b: {  	[sflag:s8] =	ssyncadd.s32 $0xFFFFD800  }
0x2c: {  	_ =	sfence.sel $0x180000  }
0x2d: {  	[bflag:$0x0] =	sbarrier.arrive $0xFFFF  }
0x2e: {  	p0 =	sne.s32 s0, $0x0;
	_ =	strace $0x90000050  }
0x2f: {  	s0 =	sadd.s32 @!p0 $0x100000, s1;
	[bflag:$0x2] =	sbarrier.arrive $0xFFFF  }
0x30: {  	[sflag:s0] =	ssyncadd.tile.s32 @!p0 $0x1;
	_ =	shalt  }
.Lfunc_end2:
_tile_overlayer_lowered:
.L_overlay_start_2:
0x31: {  	(tag) =	ssettag $0x2  }
0x32: {  	s0 =	rddreg [dreg:$0x0];
	s2 =	stileid.u32  }
0x33: {  	s1 =	rddreg [dreg:$0x1];
	p0 =	sne.s32 s2, $0x0  }
0x34: {  	s3 =	rddreg [dreg:$0x2];
	[bflag:$0x3] =	sbarrier.arrive $0xFFFF;
	s2 =	simm.s32 @!p0 $0x1C01  }
0x35: {  	[timem:s3], [sflag:s2] =	dma.local @!p0 [hbm:s0], s1  }
0x36: {  	s0 =	simm.s32 @!p0 $0x1  }
0x37: {  	_ =	swait.ge @!p0 [sflag:s0], s1  }
0x38: {  	s1 =	ssub.s32 @!p0 $0x0, s1;
	[sflag:s0] =	ssyncset.done @!p0 $0x0  }
0x39: {  	[sflag:s0] =	ssyncadd.s32 @!p0 s1  }
0x3a: {  	[bflag:$0x3] =	sbarrier.arrive $0xFFFF  }
0x3b: {  	_ =	shalt  }

</sc_bundles>
